<compile_context>
chip_gen: v7x
topology: tpu7x:2x2x1
jax: 0.10.2.dev20260603
libtpu: 0.0.44.dev20260713+nightly
codegen_flags: <defaults>
</compile_context>

<pallas_src>
import functools

import jax
import jax.numpy as jnp
from jax import lax
from jax.experimental import pallas as pl
from jax.experimental.pallas import tpu as pltpu
from jax.experimental.pallas import tpu_sc as plsc

_BATCH = 16384
_D = 64
_NCLS = 100000
_L = 16

_info = plsc.get_sparse_core_info()
_NC, _NS = _info.num_cores, _info.num_subcores
_NW = _NC * _NS
_ROUNDS = _D // _NW
_LCH = 4096
_NLCH = _BATCH // _LCH
_STEPS = _ROUNDS * _NLCH


@functools.partial(
    pl.kernel,
    mesh=plsc.VectorSubcoreMesh(core_axis_name="c", subcore_axis_name="s"),
    out_type=jax.ShapeDtypeStruct((_NW, _L), jnp.float32),
    scratch_types=[
        pltpu.VMEM((_NCLS,), jnp.float32),
        pltpu.VMEM((_LCH,), jnp.float32),
        pltpu.VMEM((_LCH,), jnp.float32),
        pltpu.VMEM((_LCH,), jnp.int32),
        pltpu.VMEM((_LCH,), jnp.int32),
        pltpu.VMEM((_L,), jnp.float32),
        pltpu.SemaphoreType.DMA,
        pltpu.SemaphoreType.DMA,
        pltpu.SemaphoreType.DMA,
        pltpu.SemaphoreType.DMA,
        pltpu.SemaphoreType.DMA,
    ],
    compiler_params=pltpu.CompilerParams(
        use_tc_tiling_on_sc=True, needs_layout_passes=False),
)
def _center_loss_sc(features_hbm, labels_hbm, centers_hbm, out_hbm,
                    row_v, feat_a, feat_b, lab_a, lab_b, acc_v,
                    rsem, fsem_a, fsem_b, lsem_a, lsem_b):
    wid = lax.axis_index("s") * _NC + lax.axis_index("c")

    labs = (lab_a, lab_b)
    lsems = (lsem_a, lsem_b)
    feats = (feat_a, feat_b)
    fsems = (fsem_a, fsem_b)

    def start_step(step):
        r, k = divmod(step, _NLCH)
        d = wid * _ROUNDS + r
        return (
            pltpu.async_copy(labels_hbm.at[pl.ds(k * _LCH, _LCH)],
                             labs[step % 2], lsems[step % 2]),
            pltpu.async_copy(features_hbm.at[d, pl.ds(k * _LCH, _LCH)],
                             feats[step % 2], fsems[step % 2]),
        )

    copies = [start_step(0)]
    rcopy = pltpu.async_copy(centers_hbm.at[wid * _ROUNDS, :], row_v, rsem)

    zero = jnp.zeros((_L,), jnp.float32)
    accs = (zero,) * 4

    for step in range(_STEPS):
        r, k = divmod(step, _NLCH)
        buf, fbuf = labs[step % 2], feats[step % 2]
        lc, fc = copies[step]
        lc.wait()
        fc.wait()
        if step + 1 < _STEPS:
            copies.append(start_step(step + 1))
        if k == 0:
            rcopy.wait()

        @plsc.parallel_loop(0, _LCH // _L, unroll=8, carry=accs)
        def accs(v, acc4, _buf=buf, _fbuf=fbuf):
            l16 = _buf[pl.ds(v * _L, _L)]
            c = plsc.load_gather(row_v, [l16])
            f = _fbuf[pl.ds(v * _L, _L)]
            d = f - c
            b0, b1, b2, b3 = acc4
            return (b1, b2, b3, b0 + d * d)

        if k == _NLCH - 1 and r + 1 < _ROUNDS:
            rcopy = pltpu.async_copy(
                centers_hbm.at[wid * _ROUNDS + r + 1, :], row_v, rsem)

    acc_v[...] = (accs[0] + accs[1]) + (accs[2] + accs[3])
    pltpu.sync_copy(acc_v, out_hbm.at[wid])


def kernel(features, labels, centers):
    partials = _center_loss_sc(
        features.T,
        labels.astype(jnp.int32),
        centers.T,
    )
    return jnp.sum(partials) * (0.5 / _BATCH)

# --- scband reference (transcript-rebuilt; emitter-appended) ---
"""Pipeline reference for scband-center-loss-83253646066296 (READ-ONLY COPY).

The authoritative reference and input builder live on the scoring server;
editing this copy changes nothing except your own understanding.
"""

import jax, jax.numpy as jnp
import numpy as np

NUM_CLASSES = 100000
FEAT_DIM = 64
BATCH = 16384
LAMBDA_C = 1.0


def setup_inputs(seed: int = 0) -> dict:
    key = jax.random.key(seed)
    k1, k2, k3 = jax.random.split(key, 3)
    features = jax.random.normal(k1, (BATCH, FEAT_DIM), dtype=jnp.float32)
    labels = jax.random.randint(k2, (BATCH,), 0, NUM_CLASSES, dtype=jnp.int64)
    centers = jax.random.normal(k3, (NUM_CLASSES, FEAT_DIM), dtype=jnp.float32)
    return {"features": features, "labels": labels, "centers": centers}


def reference(features, labels, centers):
    batch_size = features.shape[0]
    centers_batch = jnp.take(centers, labels, axis=0)
    criterion = jnp.sum(jnp.square(features - centers_batch)) / 2.0 / batch_size
    return LAMBDA_C * criterion

if __name__ == "__main__":
    import jax
    _d = setup_inputs()
    print(jax.jit(kernel)(*tuple(_d.values())))

</pallas_src>

<mosaic_0001>
#map = affine_map<(d0, d1) -> (0, 0)>
#map1 = affine_map<(d0, d1) -> (0)>
module attributes {stable_mosaic.version = 14 : i64} {
  func.func @_center_loss_sc(%arg0: i32, %arg1: i32, %arg2: memref<64x16384xf32, #tpu.memory_space<hbm>>, %arg3: memref<16384xi32, #tpu.memory_space<hbm>>, %arg4: memref<64x100000xf32, #tpu.memory_space<hbm>>, %arg5: memref<32x16xf32, #tpu.memory_space<hbm>>, %arg6: memref<100000xf32, #tpu.memory_space<vmem>>, %arg7: memref<4096xf32, #tpu.memory_space<vmem>>, %arg8: memref<4096xf32, #tpu.memory_space<vmem>>, %arg9: memref<4096xi32, #tpu.memory_space<vmem>>, %arg10: memref<4096xi32, #tpu.memory_space<vmem>>, %arg11: memref<16xf32, #tpu.memory_space<vmem>>, %arg12: memref<!tpu.dma_semaphore, #tpu.memory_space<semaphore_mem>>, %arg13: memref<!tpu.dma_semaphore, #tpu.memory_space<semaphore_mem>>, %arg14: memref<!tpu.dma_semaphore, #tpu.memory_space<semaphore_mem>>, %arg15: memref<!tpu.dma_semaphore, #tpu.memory_space<semaphore_mem>>, %arg16: memref<!tpu.dma_semaphore, #tpu.memory_space<semaphore_mem>>) attributes {dimension_semantics = [#tpu.dimension_semantics<core_parallel>, #tpu.dimension_semantics<subcore_parallel>], iteration_bounds = array<i64: 2, 16>, scalar_prefetch = 0 : i64, scratch_operands = 11 : i64, tpu.core_type = #tpu.core_type<sc_vector_subcore>, window_params = [{transform_indices = #map}, {transform_indices = #map1}, {transform_indices = #map}, {transform_indices = #map}]} {
    %mul3A = arith.constant 2 : i32
    %mul3A_0 = arith.muli %arg1, %mul3A : i32
    %add3A = arith.addi %mul3A_0, %arg0 : i32
    %mul3A_1 = arith.constant 2 : i32
    %mul3A_2 = arith.muli %add3A, %mul3A_1 : i32
    %add3A_3 = arith.constant 0 : i32
    %add3A_4 = arith.addi %mul3A_2, %add3A_3 : i32
    %dma_start3A = arith.constant 0 : i32
    %dma_start3A_5 = tpu.memref_slice %arg3[%dma_start3A] : memref<16384xi32, #tpu.memory_space<hbm>> -> memref<4096xi32, #tpu.memory_space<hbm>>
    %dma_start3A_6 = arith.constant 0 : i32
    %dma_start3A_7 = tpu.memref_slice %arg3[%dma_start3A_6] : memref<16384xi32, #tpu.memory_space<hbm>> -> memref<4096xi32, #tpu.memory_space<hbm>>
    tpu.enqueue_dma source(%dma_start3A_7 : memref<4096xi32, #tpu.memory_space<hbm>>) target(%arg9 : memref<4096xi32, #tpu.memory_space<vmem>>) target_semaphore(%arg15 : memref<!tpu.dma_semaphore, #tpu.memory_space<semaphore_mem>>)
    %dma_start3A_8 = arith.constant 0 : i32
    %dma_start3A_9 = tpu.memref_slice %arg2[%add3A_4, %dma_start3A_8] : memref<64x16384xf32, #tpu.memory_space<hbm>> -> memref<1x4096xf32, #tpu.memory_space<hbm>>
    %dma_start3A_10 = tpu.memref_squeeze %dma_start3A_9 : memref<1x4096xf32, #tpu.memory_space<hbm>> -> memref<4096xf32, #tpu.memory_space<hbm>>
    %dma_start3A_11 = arith.constant 0 : i32
    %dma_start3A_12 = tpu.memref_slice %arg2[%add3A_4, %dma_start3A_11] : memref<64x16384xf32, #tpu.memory_space<hbm>> -> memref<1x4096xf32, #tpu.memory_space<hbm>>
    %dma_start3A_13 = tpu.memref_squeeze %dma_start3A_12 : memref<1x4096xf32, #tpu.memory_space<hbm>> -> memref<4096xf32, #tpu.memory_space<hbm>>
    tpu.enqueue_dma source(%dma_start3A_13 : memref<4096xf32, #tpu.memory_space<hbm>>) target(%arg7 : memref<4096xf32, #tpu.memory_space<vmem>>) target_semaphore(%arg13 : memref<!tpu.dma_semaphore, #tpu.memory_space<semaphore_mem>>)
    %mul3A_14 = arith.constant 2 : i32
    %mul3A_15 = arith.muli %add3A, %mul3A_14 : i32
    %dma_start3A_16 = arith.constant 0 : i32
    %dma_start3A_17 = tpu.memref_slice %arg4[%mul3A_15, %dma_start3A_16] : memref<64x100000xf32, #tpu.memory_space<hbm>> -> memref<1x100000xf32, #tpu.memory_space<hbm>>
    %dma_start3A_18 = tpu.memref_squeeze %dma_start3A_17 : memref<1x100000xf32, #tpu.memory_space<hbm>> -> memref<100000xf32, #tpu.memory_space<hbm>>
    %dma_start3A_19 = arith.constant 0 : i32
    %dma_start3A_20 = tpu.memref_slice %arg4[%mul3A_15, %dma_start3A_19] : memref<64x100000xf32, #tpu.memory_space<hbm>> -> memref<1x100000xf32, #tpu.memory_space<hbm>>
    %dma_start3A_21 = tpu.memref_squeeze %dma_start3A_20 : memref<1x100000xf32, #tpu.memory_space<hbm>> -> memref<100000xf32, #tpu.memory_space<hbm>>
    tpu.enqueue_dma source(%dma_start3A_21 : memref<100000xf32, #tpu.memory_space<hbm>>) target(%arg6 : memref<100000xf32, #tpu.memory_space<vmem>>) target_semaphore(%arg12 : memref<!tpu.dma_semaphore, #tpu.memory_space<semaphore_mem>>)
    %broadcast_in_dim3A = arith.constant 0.000000e+00 : f32
    %broadcast_in_dim3A_22 = vector.broadcast %broadcast_in_dim3A : f32 to vector<16xf32>
    %dma_wait3A = arith.constant 0 : i32
    %dma_wait3A_23 = tpu.memref_slice %arg3[%dma_wait3A] : memref<16384xi32, #tpu.memory_space<hbm>> -> memref<4096xi32, #tpu.memory_space<hbm>>
    %dma_wait3A_24 = arith.constant 0 : i32
    %dma_wait3A_25 = tpu.memref_slice %arg3[%dma_wait3A_24] : memref<16384xi32, #tpu.memory_space<hbm>> -> memref<4096xi32, #tpu.memory_space<hbm>>
    tpu.wait_dma2 semaphore(%arg15 : memref<!tpu.dma_semaphore, #tpu.memory_space<semaphore_mem>>) src(%dma_wait3A_25 : memref<4096xi32, #tpu.memory_space<hbm>>) dst(%arg9 : memref<4096xi32, #tpu.memory_space<vmem>>)
    %dma_wait3A_26 = arith.constant 0 : i32
    %dma_wait3A_27 = tpu.memref_slice %arg2[%add3A_4, %dma_wait3A_26] : memref<64x16384xf32, #tpu.memory_space<hbm>> -> memref<1x4096xf32, #tpu.memory_space<hbm>>
    %dma_wait3A_28 = tpu.memref_squeeze %dma_wait3A_27 : memref<1x4096xf32, #tpu.memory_space<hbm>> -> memref<4096xf32, #tpu.memory_space<hbm>>
    %dma_wait3A_29 = arith.constant 0 : i32
    %dma_wait3A_30 = tpu.memref_slice %arg2[%add3A_4, %dma_wait3A_29] : memref<64x16384xf32, #tpu.memory_space<hbm>> -> memref<1x4096xf32, #tpu.memory_space<hbm>>
    %dma_wait3A_31 = tpu.memref_squeeze %dma_wait3A_30 : memref<1x4096xf32, #tpu.memory_space<hbm>> -> memref<4096xf32, #tpu.memory_space<hbm>>
    tpu.wait_dma2 semaphore(%arg13 : memref<!tpu.dma_semaphore, #tpu.memory_space<semaphore_mem>>) src(%dma_wait3A_31 : memref<4096xf32, #tpu.memory_space<hbm>>) dst(%arg7 : memref<4096xf32, #tpu.memory_space<vmem>>)
    %mul3A_32 = arith.constant 2 : i32
    %mul3A_33 = arith.muli %add3A, %mul3A_32 : i32
    %add3A_34 = arith.constant 0 : i32
    %add3A_35 = arith.addi %mul3A_33, %add3A_34 : i32
    %dma_start3A_36 = arith.constant 4096 : i32
    %dma_start3A_37 = tpu.memref_slice %arg3[%dma_start3A_36] : memref<16384xi32, #tpu.memory_space<hbm>> -> memref<4096xi32, #tpu.memory_space<hbm>>
    %dma_start3A_38 = arith.constant 4096 : i32
    %dma_start3A_39 = tpu.memref_slice %arg3[%dma_start3A_38] : memref<16384xi32, #tpu.memory_space<hbm>> -> memref<4096xi32, #tpu.memory_space<hbm>>
    tpu.enqueue_dma source(%dma_start3A_39 : memref<4096xi32, #tpu.memory_space<hbm>>) target(%arg10 : memref<4096xi32, #tpu.memory_space<vmem>>) target_semaphore(%arg16 : memref<!tpu.dma_semaphore, #tpu.memory_space<semaphore_mem>>)
    %dma_start3A_40 = arith.constant 4096 : i32
    %dma_start3A_41 = tpu.memref_slice %arg2[%add3A_35, %dma_start3A_40] : memref<64x16384xf32, #tpu.memory_space<hbm>> -> memref<1x4096xf32, #tpu.memory_space<hbm>>
    %dma_start3A_42 = tpu.memref_squeeze %dma_start3A_41 : memref<1x4096xf32, #tpu.memory_space<hbm>> -> memref<4096xf32, #tpu.memory_space<hbm>>
    %dma_start3A_43 = arith.constant 4096 : i32
    %dma_start3A_44 = tpu.memref_slice %arg2[%add3A_35, %dma_start3A_43] : memref<64x16384xf32, #tpu.memory_space<hbm>> -> memref<1x4096xf32, #tpu.memory_space<hbm>>
    %dma_start3A_45 = tpu.memref_squeeze %dma_start3A_44 : memref<1x4096xf32, #tpu.memory_space<hbm>> -> memref<4096xf32, #tpu.memory_space<hbm>>
    tpu.enqueue_dma source(%dma_start3A_45 : memref<4096xf32, #tpu.memory_space<hbm>>) target(%arg8 : memref<4096xf32, #tpu.memory_space<vmem>>) target_semaphore(%arg14 : memref<!tpu.dma_semaphore, #tpu.memory_space<semaphore_mem>>)
    %dma_wait3A_46 = arith.constant 0 : i32
    %dma_wait3A_47 = tpu.memref_slice %arg4[%mul3A_15, %dma_wait3A_46] : memref<64x100000xf32, #tpu.memory_space<hbm>> -> memref<1x100000xf32, #tpu.memory_space<hbm>>
    %dma_wait3A_48 = tpu.memref_squeeze %dma_wait3A_47 : memref<1x100000xf32, #tpu.memory_space<hbm>> -> memref<100000xf32, #tpu.memory_space<hbm>>
    %dma_wait3A_49 = arith.constant 0 : i32
    %dma_wait3A_50 = tpu.memref_slice %arg4[%mul3A_15, %dma_wait3A_49] : memref<64x100000xf32, #tpu.memory_space<hbm>> -> memref<1x100000xf32, #tpu.memory_space<hbm>>
    %dma_wait3A_51 = tpu.memref_squeeze %dma_wait3A_50 : memref<1x100000xf32, #tpu.memory_space<hbm>> -> memref<100000xf32, #tpu.memory_space<hbm>>
    tpu.wait_dma2 semaphore(%arg12 : memref<!tpu.dma_semaphore, #tpu.memory_space<semaphore_mem>>) src(%dma_wait3A_51 : memref<100000xf32, #tpu.memory_space<hbm>>) dst(%arg6 : memref<100000xf32, #tpu.memory_space<vmem>>)
    %parallel_loop3A = arith.constant 0 : i32
    %parallel_loop3A_52 = arith.constant 256 : i32
    %parallel_loop3A_53 = arith.constant 1 : i32
    %parallel_loop3A_54:4 = scf.for %parallel_loop3A_259 = %parallel_loop3A to %parallel_loop3A_52 step %parallel_loop3A_53 iter_args(%parallel_loop3A_260 = %broadcast_in_dim3A_22, %parallel_loop3A_261 = %broadcast_in_dim3A_22, %parallel_loop3A_262 = %broadcast_in_dim3A_22, %parallel_loop3A_263 = %broadcast_in_dim3A_22) -> (vector<16xf32>, vector<16xf32>, vector<16xf32>, vector<16xf32>)  : i32 {
      %parallel_loop3A_264 = arith.constant 16 : i32
      %parallel_loop3A_265 = arith.muli %parallel_loop3A_259, %parallel_loop3A_264 : i32
      %parallel_loop3A_266 = arith.index_cast %parallel_loop3A_265 : i32 to index
      %parallel_loop3A_267 = tpu.vector_load %arg9[%parallel_loop3A_266] {strides = array<i32>} : memref<4096xi32, #tpu.memory_space<vmem>>, vector<16xi32>,
      %parallel_loop3A_268 = tpu.vector_load_idx %arg6[%parallel_loop3A_267] : memref<100000xf32, #tpu.memory_space<vmem>>[vector<16xi32>], vector<16xf32>,
      %parallel_loop3A_269 = arith.constant 16 : i32
      %parallel_loop3A_270 = arith.muli %parallel_loop3A_259, %parallel_loop3A_269 : i32
      %parallel_loop3A_271 = arith.index_cast %parallel_loop3A_270 : i32 to index
      %parallel_loop3A_272 = tpu.vector_load %arg7[%parallel_loop3A_271] {strides = array<i32>} : memref<4096xf32, #tpu.memory_space<vmem>>, vector<16xf32>,
      %parallel_loop3A_273 = arith.subf %parallel_loop3A_272, %parallel_loop3A_268 : vector<16xf32>
      %parallel_loop3A_274 = arith.mulf %parallel_loop3A_273, %parallel_loop3A_273 : vector<16xf32>
      %parallel_loop3A_275 = arith.addf %parallel_loop3A_260, %parallel_loop3A_274 : vector<16xf32>
      scf.yield %parallel_loop3A_261, %parallel_loop3A_262, %parallel_loop3A_263, %parallel_loop3A_275 : vector<16xf32>, vector<16xf32>, vector<16xf32>, vector<16xf32>
    } {sc.loop_unroll_factor = 8 : i64, sc.parallel_access}
    %dma_wait3A_55 = arith.constant 4096 : i32
    %dma_wait3A_56 = tpu.memref_slice %arg3[%dma_wait3A_55] : memref<16384xi32, #tpu.memory_space<hbm>> -> memref<4096xi32, #tpu.memory_space<hbm>>
    %dma_wait3A_57 = arith.constant 4096 : i32
    %dma_wait3A_58 = tpu.memref_slice %arg3[%dma_wait3A_57] : memref<16384xi32, #tpu.memory_space<hbm>> -> memref<4096xi32, #tpu.memory_space<hbm>>
    tpu.wait_dma2 semaphore(%arg16 : memref<!tpu.dma_semaphore, #tpu.memory_space<semaphore_mem>>) src(%dma_wait3A_58 : memref<4096xi32, #tpu.memory_space<hbm>>) dst(%arg10 : memref<4096xi32, #tpu.memory_space<vmem>>)
    %dma_wait3A_59 = arith.constant 4096 : i32
    %dma_wait3A_60 = tpu.memref_slice %arg2[%add3A_35, %dma_wait3A_59] : memref<64x16384xf32, #tpu.memory_space<hbm>> -> memref<1x4096xf32, #tpu.memory_space<hbm>>
    %dma_wait3A_61 = tpu.memref_squeeze %dma_wait3A_60 : memref<1x4096xf32, #tpu.memory_space<hbm>> -> memref<4096xf32, #tpu.memory_space<hbm>>
    %dma_wait3A_62 = arith.constant 4096 : i32
    %dma_wait3A_63 = tpu.memref_slice %arg2[%add3A_35, %dma_wait3A_62] : memref<64x16384xf32, #tpu.memory_space<hbm>> -> memref<1x4096xf32, #tpu.memory_space<hbm>>
    %dma_wait3A_64 = tpu.memref_squeeze %dma_wait3A_63 : memref<1x4096xf32, #tpu.memory_space<hbm>> -> memref<4096xf32, #tpu.memory_space<hbm>>
    tpu.wait_dma2 semaphore(%arg14 : memref<!tpu.dma_semaphore, #tpu.memory_space<semaphore_mem>>) src(%dma_wait3A_64 : memref<4096xf32, #tpu.memory_space<hbm>>) dst(%arg8 : memref<4096xf32, #tpu.memory_space<vmem>>)
    %mul3A_65 = arith.constant 2 : i32
    %mul3A_66 = arith.muli %add3A, %mul3A_65 : i32
    %add3A_67 = arith.constant 0 : i32
    %add3A_68 = arith.addi %mul3A_66, %add3A_67 : i32
    %dma_start3A_69 = arith.constant 8192 : i32
    %dma_start3A_70 = tpu.memref_slice %arg3[%dma_start3A_69] : memref<16384xi32, #tpu.memory_space<hbm>> -> memref<4096xi32, #tpu.memory_space<hbm>>
    %dma_start3A_71 = arith.constant 8192 : i32
    %dma_start3A_72 = tpu.memref_slice %arg3[%dma_start3A_71] : memref<16384xi32, #tpu.memory_space<hbm>> -> memref<4096xi32, #tpu.memory_space<hbm>>
    tpu.enqueue_dma source(%dma_start3A_72 : memref<4096xi32, #tpu.memory_space<hbm>>) target(%arg9 : memref<4096xi32, #tpu.memory_space<vmem>>) target_semaphore(%arg15 : memref<!tpu.dma_semaphore, #tpu.memory_space<semaphore_mem>>)
    %dma_start3A_73 = arith.constant 8192 : i32
    %dma_start3A_74 = tpu.memref_slice %arg2[%add3A_68, %dma_start3A_73] : memref<64x16384xf32, #tpu.memory_space<hbm>> -> memref<1x4096xf32, #tpu.memory_space<hbm>>
    %dma_start3A_75 = tpu.memref_squeeze %dma_start3A_74 : memref<1x4096xf32, #tpu.memory_space<hbm>> -> memref<4096xf32, #tpu.memory_space<hbm>>
    %dma_start3A_76 = arith.constant 8192 : i32
    %dma_start3A_77 = tpu.memref_slice %arg2[%add3A_68, %dma_start3A_76] : memref<64x16384xf32, #tpu.memory_space<hbm>> -> memref<1x4096xf32, #tpu.memory_space<hbm>>
    %dma_start3A_78 = tpu.memref_squeeze %dma_start3A_77 : memref<1x4096xf32, #tpu.memory_space<hbm>> -> memref<4096xf32, #tpu.memory_space<hbm>>
    tpu.enqueue_dma source(%dma_start3A_78 : memref<4096xf32, #tpu.memory_space<hbm>>) target(%arg7 : memref<4096xf32, #tpu.memory_space<vmem>>) target_semaphore(%arg13 : memref<!tpu.dma_semaphore, #tpu.memory_space<semaphore_mem>>)
    %parallel_loop3A_79 = arith.constant 0 : i32
    %parallel_loop3A_80 = arith.constant 256 : i32
    %parallel_loop3A_81 = arith.constant 1 : i32
    %parallel_loop3A_82:4 = scf.for %parallel_loop3A_259 = %parallel_loop3A_79 to %parallel_loop3A_80 step %parallel_loop3A_81 iter_args(%parallel_loop3A_260 = %parallel_loop3A_54#0, %parallel_loop3A_261 = %parallel_loop3A_54#1, %parallel_loop3A_262 = %parallel_loop3A_54#2, %parallel_loop3A_263 = %parallel_loop3A_54#3) -> (vector<16xf32>, vector<16xf32>, vector<16xf32>, vector<16xf32>)  : i32 {
      %parallel_loop3A_264 = arith.constant 16 : i32
      %parallel_loop3A_265 = arith.muli %parallel_loop3A_259, %parallel_loop3A_264 : i32
      %parallel_loop3A_266 = arith.index_cast %parallel_loop3A_265 : i32 to index
      %parallel_loop3A_267 = tpu.vector_load %arg10[%parallel_loop3A_266] {strides = array<i32>} : memref<4096xi32, #tpu.memory_space<vmem>>, vector<16xi32>,
      %parallel_loop3A_268 = tpu.vector_load_idx %arg6[%parallel_loop3A_267] : memref<100000xf32, #tpu.memory_space<vmem>>[vector<16xi32>], vector<16xf32>,
      %parallel_loop3A_269 = arith.constant 16 : i32
      %parallel_loop3A_270 = arith.muli %parallel_loop3A_259, %parallel_loop3A_269 : i32
      %parallel_loop3A_271 = arith.index_cast %parallel_loop3A_270 : i32 to index
      %parallel_loop3A_272 = tpu.vector_load %arg8[%parallel_loop3A_271] {strides = array<i32>} : memref<4096xf32, #tpu.memory_space<vmem>>, vector<16xf32>,
      %parallel_loop3A_273 = arith.subf %parallel_loop3A_272, %parallel_loop3A_268 : vector<16xf32>
      %parallel_loop3A_274 = arith.mulf %parallel_loop3A_273, %parallel_loop3A_273 : vector<16xf32>
      %parallel_loop3A_275 = arith.addf %parallel_loop3A_260, %parallel_loop3A_274 : vector<16xf32>
      scf.yield %parallel_loop3A_261, %parallel_loop3A_262, %parallel_loop3A_263, %parallel_loop3A_275 : vector<16xf32>, vector<16xf32>, vector<16xf32>, vector<16xf32>
    } {sc.loop_unroll_factor = 8 : i64, sc.parallel_access}
    %dma_wait3A_83 = arith.constant 8192 : i32
    %dma_wait3A_84 = tpu.memref_slice %arg3[%dma_wait3A_83] : memref<16384xi32, #tpu.memory_space<hbm>> -> memref<4096xi32, #tpu.memory_space<hbm>>
    %dma_wait3A_85 = arith.constant 8192 : i32
    %dma_wait3A_86 = tpu.memref_slice %arg3[%dma_wait3A_85] : memref<16384xi32, #tpu.memory_space<hbm>> -> memref<4096xi32, #tpu.memory_space<hbm>>
    tpu.wait_dma2 semaphore(%arg15 : memref<!tpu.dma_semaphore, #tpu.memory_space<semaphore_mem>>) src(%dma_wait3A_86 : memref<4096xi32, #tpu.memory_space<hbm>>) dst(%arg9 : memref<4096xi32, #tpu.memory_space<vmem>>)
    %dma_wait3A_87 = arith.constant 8192 : i32
    %dma_wait3A_88 = tpu.memref_slice %arg2[%add3A_68, %dma_wait3A_87] : memref<64x16384xf32, #tpu.memory_space<hbm>> -> memref<1x4096xf32, #tpu.memory_space<hbm>>
    %dma_wait3A_89 = tpu.memref_squeeze %dma_wait3A_88 : memref<1x4096xf32, #tpu.memory_space<hbm>> -> memref<4096xf32, #tpu.memory_space<hbm>>
    %dma_wait3A_90 = arith.constant 8192 : i32
    %dma_wait3A_91 = tpu.memref_slice %arg2[%add3A_68, %dma_wait3A_90] : memref<64x16384xf32, #tpu.memory_space<hbm>> -> memref<1x4096xf32, #tpu.memory_space<hbm>>
    %dma_wait3A_92 = tpu.memref_squeeze %dma_wait3A_91 : memref<1x4096xf32, #tpu.memory_space<hbm>> -> memref<4096xf32, #tpu.memory_space<hbm>>
    tpu.wait_dma2 semaphore(%arg13 : memref<!tpu.dma_semaphore, #tpu.memory_space<semaphore_mem>>) src(%dma_wait3A_92 : memref<4096xf32, #tpu.memory_space<hbm>>) dst(%arg7 : memref<4096xf32, #tpu.memory_space<vmem>>)
    %mul3A_93 = arith.constant 2 : i32
    %mul3A_94 = arith.muli %add3A, %mul3A_93 : i32
    %add3A_95 = arith.constant 0 : i32
    %add3A_96 = arith.addi %mul3A_94, %add3A_95 : i32
    %dma_start3A_97 = arith.constant 12288 : i32
    %dma_start3A_98 = tpu.memref_slice %arg3[%dma_start3A_97] : memref<16384xi32, #tpu.memory_space<hbm>> -> memref<4096xi32, #tpu.memory_space<hbm>>
    %dma_start3A_99 = arith.constant 12288 : i32
    %dma_start3A_100 = tpu.memref_slice %arg3[%dma_start3A_99] : memref<16384xi32, #tpu.memory_space<hbm>> -> memref<4096xi32, #tpu.memory_space<hbm>>
    tpu.enqueue_dma source(%dma_start3A_100 : memref<4096xi32, #tpu.memory_space<hbm>>) target(%arg10 : memref<4096xi32, #tpu.memory_space<vmem>>) target_semaphore(%arg16 : memref<!tpu.dma_semaphore, #tpu.memory_space<semaphore_mem>>)
    %dma_start3A_101 = arith.constant 12288 : i32
    %dma_start3A_102 = tpu.memref_slice %arg2[%add3A_96, %dma_start3A_101] : memref<64x16384xf32, #tpu.memory_space<hbm>> -> memref<1x4096xf32, #tpu.memory_space<hbm>>
    %dma_start3A_103 = tpu.memref_squeeze %dma_start3A_102 : memref<1x4096xf32, #tpu.memory_space<hbm>> -> memref<4096xf32, #tpu.memory_space<hbm>>
    %dma_start3A_104 = arith.constant 12288 : i32
    %dma_start3A_105 = tpu.memref_slice %arg2[%add3A_96, %dma_start3A_104] : memref<64x16384xf32, #tpu.memory_space<hbm>> -> memref<1x4096xf32, #tpu.memory_space<hbm>>
    %dma_start3A_106 = tpu.memref_squeeze %dma_start3A_105 : memref<1x4096xf32, #tpu.memory_space<hbm>> -> memref<4096xf32, #tpu.memory_space<hbm>>
    tpu.enqueue_dma source(%dma_start3A_106 : memref<4096xf32, #tpu.memory_space<hbm>>) target(%arg8 : memref<4096xf32, #tpu.memory_space<vmem>>) target_semaphore(%arg14 : memref<!tpu.dma_semaphore, #tpu.memory_space<semaphore_mem>>)
    %parallel_loop3A_107 = arith.constant 0 : i32
    %parallel_loop3A_108 = arith.constant 256 : i32
    %parallel_loop3A_109 = arith.constant 1 : i32
    %parallel_loop3A_110:4 = scf.for %parallel_loop3A_259 = %parallel_loop3A_107 to %parallel_loop3A_108 step %parallel_loop3A_109 iter_args(%parallel_loop3A_260 = %parallel_loop3A_82#0, %parallel_loop3A_261 = %parallel_loop3A_82#1, %parallel_loop3A_262 = %parallel_loop3A_82#2, %parallel_loop3A_263 = %parallel_loop3A_82#3) -> (vector<16xf32>, vector<16xf32>, vector<16xf32>, vector<16xf32>)  : i32 {
      %parallel_loop3A_264 = arith.constant 16 : i32
      %parallel_loop3A_265 = arith.muli %parallel_loop3A_259, %parallel_loop3A_264 : i32
      %parallel_loop3A_266 = arith.index_cast %parallel_loop3A_265 : i32 to index
      %parallel_loop3A_267 = tpu.vector_load %arg9[%parallel_loop3A_266] {strides = array<i32>} : memref<4096xi32, #tpu.memory_space<vmem>>, vector<16xi32>,
      %parallel_loop3A_268 = tpu.vector_load_idx %arg6[%parallel_loop3A_267] : memref<100000xf32, #tpu.memory_space<vmem>>[vector<16xi32>], vector<16xf32>,
      %parallel_loop3A_269 = arith.constant 16 : i32
      %parallel_loop3A_270 = arith.muli %parallel_loop3A_259, %parallel_loop3A_269 : i32
      %parallel_loop3A_271 = arith.index_cast %parallel_loop3A_270 : i32 to index
      %parallel_loop3A_272 = tpu.vector_load %arg7[%parallel_loop3A_271] {strides = array<i32>} : memref<4096xf32, #tpu.memory_space<vmem>>, vector<16xf32>,
      %parallel_loop3A_273 = arith.subf %parallel_loop3A_272, %parallel_loop3A_268 : vector<16xf32>
      %parallel_loop3A_274 = arith.mulf %parallel_loop3A_273, %parallel_loop3A_273 : vector<16xf32>
      %parallel_loop3A_275 = arith.addf %parallel_loop3A_260, %parallel_loop3A_274 : vector<16xf32>
      scf.yield %parallel_loop3A_261, %parallel_loop3A_262, %parallel_loop3A_263, %parallel_loop3A_275 : vector<16xf32>, vector<16xf32>, vector<16xf32>, vector<16xf32>
    } {sc.loop_unroll_factor = 8 : i64, sc.parallel_access}
    %dma_wait3A_111 = arith.constant 12288 : i32
    %dma_wait3A_112 = tpu.memref_slice %arg3[%dma_wait3A_111] : memref<16384xi32, #tpu.memory_space<hbm>> -> memref<4096xi32, #tpu.memory_space<hbm>>
    %dma_wait3A_113 = arith.constant 12288 : i32
    %dma_wait3A_114 = tpu.memref_slice %arg3[%dma_wait3A_113] : memref<16384xi32, #tpu.memory_space<hbm>> -> memref<4096xi32, #tpu.memory_space<hbm>>
    tpu.wait_dma2 semaphore(%arg16 : memref<!tpu.dma_semaphore, #tpu.memory_space<semaphore_mem>>) src(%dma_wait3A_114 : memref<4096xi32, #tpu.memory_space<hbm>>) dst(%arg10 : memref<4096xi32, #tpu.memory_space<vmem>>)
    %dma_wait3A_115 = arith.constant 12288 : i32
    %dma_wait3A_116 = tpu.memref_slice %arg2[%add3A_96, %dma_wait3A_115] : memref<64x16384xf32, #tpu.memory_space<hbm>> -> memref<1x4096xf32, #tpu.memory_space<hbm>>
    %dma_wait3A_117 = tpu.memref_squeeze %dma_wait3A_116 : memref<1x4096xf32, #tpu.memory_space<hbm>> -> memref<4096xf32, #tpu.memory_space<hbm>>
    %dma_wait3A_118 = arith.constant 12288 : i32
    %dma_wait3A_119 = tpu.memref_slice %arg2[%add3A_96, %dma_wait3A_118] : memref<64x16384xf32, #tpu.memory_space<hbm>> -> memref<1x4096xf32, #tpu.memory_space<hbm>>
    %dma_wait3A_120 = tpu.memref_squeeze %dma_wait3A_119 : memref<1x4096xf32, #tpu.memory_space<hbm>> -> memref<4096xf32, #tpu.memory_space<hbm>>
    tpu.wait_dma2 semaphore(%arg14 : memref<!tpu.dma_semaphore, #tpu.memory_space<semaphore_mem>>) src(%dma_wait3A_120 : memref<4096xf32, #tpu.memory_space<hbm>>) dst(%arg8 : memref<4096xf32, #tpu.memory_space<vmem>>)
    %mul3A_121 = arith.constant 2 : i32
    %mul3A_122 = arith.muli %add3A, %mul3A_121 : i32
    %add3A_123 = arith.constant 1 : i32
    %add3A_124 = arith.addi %mul3A_122, %add3A_123 : i32
    %dma_start3A_125 = arith.constant 0 : i32
    %dma_start3A_126 = tpu.memref_slice %arg3[%dma_start3A_125] : memref<16384xi32, #tpu.memory_space<hbm>> -> memref<4096xi32, #tpu.memory_space<hbm>>
    %dma_start3A_127 = arith.constant 0 : i32
    %dma_start3A_128 = tpu.memref_slice %arg3[%dma_start3A_127] : memref<16384xi32, #tpu.memory_space<hbm>> -> memref<4096xi32, #tpu.memory_space<hbm>>
    tpu.enqueue_dma source(%dma_start3A_128 : memref<4096xi32, #tpu.memory_space<hbm>>) target(%arg9 : memref<4096xi32, #tpu.memory_space<vmem>>) target_semaphore(%arg15 : memref<!tpu.dma_semaphore, #tpu.memory_space<semaphore_mem>>)
    %dma_start3A_129 = arith.constant 0 : i32
    %dma_start3A_130 = tpu.memref_slice %arg2[%add3A_124, %dma_start3A_129] : memref<64x16384xf32, #tpu.memory_space<hbm>> -> memref<1x4096xf32, #tpu.memory_space<hbm>>
    %dma_start3A_131 = tpu.memref_squeeze %dma_start3A_130 : memref<1x4096xf32, #tpu.memory_space<hbm>> -> memref<4096xf32, #tpu.memory_space<hbm>>
    %dma_start3A_132 = arith.constant 0 : i32
    %dma_start3A_133 = tpu.memref_slice %arg2[%add3A_124, %dma_start3A_132] : memref<64x16384xf32, #tpu.memory_space<hbm>> -> memref<1x4096xf32, #tpu.memory_space<hbm>>
    %dma_start3A_134 = tpu.memref_squeeze %dma_start3A_133 : memref<1x4096xf32, #tpu.memory_space<hbm>> -> memref<4096xf32, #tpu.memory_space<hbm>>
    tpu.enqueue_dma source(%dma_start3A_134 : memref<4096xf32, #tpu.memory_space<hbm>>) target(%arg7 : memref<4096xf32, #tpu.memory_space<vmem>>) target_semaphore(%arg13 : memref<!tpu.dma_semaphore, #tpu.memory_space<semaphore_mem>>)
    %parallel_loop3A_135 = arith.constant 0 : i32
    %parallel_loop3A_136 = arith.constant 256 : i32
    %parallel_loop3A_137 = arith.constant 1 : i32
    %parallel_loop3A_138:4 = scf.for %parallel_loop3A_259 = %parallel_loop3A_135 to %parallel_loop3A_136 step %parallel_loop3A_137 iter_args(%parallel_loop3A_260 = %parallel_loop3A_110#0, %parallel_loop3A_261 = %parallel_loop3A_110#1, %parallel_loop3A_262 = %parallel_loop3A_110#2, %parallel_loop3A_263 = %parallel_loop3A_110#3) -> (vector<16xf32>, vector<16xf32>, vector<16xf32>, vector<16xf32>)  : i32 {
      %parallel_loop3A_264 = arith.constant 16 : i32
      %parallel_loop3A_265 = arith.muli %parallel_loop3A_259, %parallel_loop3A_264 : i32
      %parallel_loop3A_266 = arith.index_cast %parallel_loop3A_265 : i32 to index
      %parallel_loop3A_267 = tpu.vector_load %arg10[%parallel_loop3A_266] {strides = array<i32>} : memref<4096xi32, #tpu.memory_space<vmem>>, vector<16xi32>,
      %parallel_loop3A_268 = tpu.vector_load_idx %arg6[%parallel_loop3A_267] : memref<100000xf32, #tpu.memory_space<vmem>>[vector<16xi32>], vector<16xf32>,
      %parallel_loop3A_269 = arith.constant 16 : i32
      %parallel_loop3A_270 = arith.muli %parallel_loop3A_259, %parallel_loop3A_269 : i32
      %parallel_loop3A_271 = arith.index_cast %parallel_loop3A_270 : i32 to index
      %parallel_loop3A_272 = tpu.vector_load %arg8[%parallel_loop3A_271] {strides = array<i32>} : memref<4096xf32, #tpu.memory_space<vmem>>, vector<16xf32>,
      %parallel_loop3A_273 = arith.subf %parallel_loop3A_272, %parallel_loop3A_268 : vector<16xf32>
      %parallel_loop3A_274 = arith.mulf %parallel_loop3A_273, %parallel_loop3A_273 : vector<16xf32>
      %parallel_loop3A_275 = arith.addf %parallel_loop3A_260, %parallel_loop3A_274 : vector<16xf32>
      scf.yield %parallel_loop3A_261, %parallel_loop3A_262, %parallel_loop3A_263, %parallel_loop3A_275 : vector<16xf32>, vector<16xf32>, vector<16xf32>, vector<16xf32>
    } {sc.loop_unroll_factor = 8 : i64, sc.parallel_access}
    %mul3A_139 = arith.constant 2 : i32
    %mul3A_140 = arith.muli %add3A, %mul3A_139 : i32
    %add3A_141 = arith.constant 0 : i32
    %add3A_142 = arith.addi %mul3A_140, %add3A_141 : i32
    %add3A_143 = arith.constant 1 : i32
    %add3A_144 = arith.addi %add3A_142, %add3A_143 : i32
    %dma_start3A_145 = arith.constant 0 : i32
    %dma_start3A_146 = tpu.memref_slice %arg4[%add3A_144, %dma_start3A_145] : memref<64x100000xf32, #tpu.memory_space<hbm>> -> memref<1x100000xf32, #tpu.memory_space<hbm>>
    %dma_start3A_147 = tpu.memref_squeeze %dma_start3A_146 : memref<1x100000xf32, #tpu.memory_space<hbm>> -> memref<100000xf32, #tpu.memory_space<hbm>>
    %dma_start3A_148 = arith.constant 0 : i32
    %dma_start3A_149 = tpu.memref_slice %arg4[%add3A_144, %dma_start3A_148] : memref<64x100000xf32, #tpu.memory_space<hbm>> -> memref<1x100000xf32, #tpu.memory_space<hbm>>
    %dma_start3A_150 = tpu.memref_squeeze %dma_start3A_149 : memref<1x100000xf32, #tpu.memory_space<hbm>> -> memref<100000xf32, #tpu.memory_space<hbm>>
    tpu.enqueue_dma source(%dma_start3A_150 : memref<100000xf32, #tpu.memory_space<hbm>>) target(%arg6 : memref<100000xf32, #tpu.memory_space<vmem>>) target_semaphore(%arg12 : memref<!tpu.dma_semaphore, #tpu.memory_space<semaphore_mem>>)
    %dma_wait3A_151 = arith.constant 0 : i32
    %dma_wait3A_152 = tpu.memref_slice %arg3[%dma_wait3A_151] : memref<16384xi32, #tpu.memory_space<hbm>> -> memref<4096xi32, #tpu.memory_space<hbm>>
    %dma_wait3A_153 = arith.constant 0 : i32
    %dma_wait3A_154 = tpu.memref_slice %arg3[%dma_wait3A_153] : memref<16384xi32, #tpu.memory_space<hbm>> -> memref<4096xi32, #tpu.memory_space<hbm>>
    tpu.wait_dma2 semaphore(%arg15 : memref<!tpu.dma_semaphore, #tpu.memory_space<semaphore_mem>>) src(%dma_wait3A_154 : memref<4096xi32, #tpu.memory_space<hbm>>) dst(%arg9 : memref<4096xi32, #tpu.memory_space<vmem>>)
    %dma_wait3A_155 = arith.constant 0 : i32
    %dma_wait3A_156 = tpu.memref_slice %arg2[%add3A_124, %dma_wait3A_155] : memref<64x16384xf32, #tpu.memory_space<hbm>> -> memref<1x4096xf32, #tpu.memory_space<hbm>>
    %dma_wait3A_157 = tpu.memref_squeeze %dma_wait3A_156 : memref<1x4096xf32, #tpu.memory_space<hbm>> -> memref<4096xf32, #tpu.memory_space<hbm>>
    %dma_wait3A_158 = arith.constant 0 : i32
    %dma_wait3A_159 = tpu.memref_slice %arg2[%add3A_124, %dma_wait3A_158] : memref<64x16384xf32, #tpu.memory_space<hbm>> -> memref<1x4096xf32, #tpu.memory_space<hbm>>
    %dma_wait3A_160 = tpu.memref_squeeze %dma_wait3A_159 : memref<1x4096xf32, #tpu.memory_space<hbm>> -> memref<4096xf32, #tpu.memory_space<hbm>>
    tpu.wait_dma2 semaphore(%arg13 : memref<!tpu.dma_semaphore, #tpu.memory_space<semaphore_mem>>) src(%dma_wait3A_160 : memref<4096xf32, #tpu.memory_space<hbm>>) dst(%arg7 : memref<4096xf32, #tpu.memory_space<vmem>>)
    %mul3A_161 = arith.constant 2 : i32
    %mul3A_162 = arith.muli %add3A, %mul3A_161 : i32
    %add3A_163 = arith.constant 1 : i32
    %add3A_164 = arith.addi %mul3A_162, %add3A_163 : i32
    %dma_start3A_165 = arith.constant 4096 : i32
    %dma_start3A_166 = tpu.memref_slice %arg3[%dma_start3A_165] : memref<16384xi32, #tpu.memory_space<hbm>> -> memref<4096xi32, #tpu.memory_space<hbm>>
    %dma_start3A_167 = arith.constant 4096 : i32
    %dma_start3A_168 = tpu.memref_slice %arg3[%dma_start3A_167] : memref<16384xi32, #tpu.memory_space<hbm>> -> memref<4096xi32, #tpu.memory_space<hbm>>
    tpu.enqueue_dma source(%dma_start3A_168 : memref<4096xi32, #tpu.memory_space<hbm>>) target(%arg10 : memref<4096xi32, #tpu.memory_space<vmem>>) target_semaphore(%arg16 : memref<!tpu.dma_semaphore, #tpu.memory_space<semaphore_mem>>)
    %dma_start3A_169 = arith.constant 4096 : i32
    %dma_start3A_170 = tpu.memref_slice %arg2[%add3A_164, %dma_start3A_169] : memref<64x16384xf32, #tpu.memory_space<hbm>> -> memref<1x4096xf32, #tpu.memory_space<hbm>>
    %dma_start3A_171 = tpu.memref_squeeze %dma_start3A_170 : memref<1x4096xf32, #tpu.memory_space<hbm>> -> memref<4096xf32, #tpu.memory_space<hbm>>
    %dma_start3A_172 = arith.constant 4096 : i32
    %dma_start3A_173 = tpu.memref_slice %arg2[%add3A_164, %dma_start3A_172] : memref<64x16384xf32, #tpu.memory_space<hbm>> -> memref<1x4096xf32, #tpu.memory_space<hbm>>
    %dma_start3A_174 = tpu.memref_squeeze %dma_start3A_173 : memref<1x4096xf32, #tpu.memory_space<hbm>> -> memref<4096xf32, #tpu.memory_space<hbm>>
    tpu.enqueue_dma source(%dma_start3A_174 : memref<4096xf32, #tpu.memory_space<hbm>>) target(%arg8 : memref<4096xf32, #tpu.memory_space<vmem>>) target_semaphore(%arg14 : memref<!tpu.dma_semaphore, #tpu.memory_space<semaphore_mem>>)
    %dma_wait3A_175 = arith.constant 0 : i32
    %dma_wait3A_176 = tpu.memref_slice %arg4[%add3A_144, %dma_wait3A_175] : memref<64x100000xf32, #tpu.memory_space<hbm>> -> memref<1x100000xf32, #tpu.memory_space<hbm>>
    %dma_wait3A_177 = tpu.memref_squeeze %dma_wait3A_176 : memref<1x100000xf32, #tpu.memory_space<hbm>> -> memref<100000xf32, #tpu.memory_space<hbm>>
    %dma_wait3A_178 = arith.constant 0 : i32
    %dma_wait3A_179 = tpu.memref_slice %arg4[%add3A_144, %dma_wait3A_178] : memref<64x100000xf32, #tpu.memory_space<hbm>> -> memref<1x100000xf32, #tpu.memory_space<hbm>>
    %dma_wait3A_180 = tpu.memref_squeeze %dma_wait3A_179 : memref<1x100000xf32, #tpu.memory_space<hbm>> -> memref<100000xf32, #tpu.memory_space<hbm>>
    tpu.wait_dma2 semaphore(%arg12 : memref<!tpu.dma_semaphore, #tpu.memory_space<semaphore_mem>>) src(%dma_wait3A_180 : memref<100000xf32, #tpu.memory_space<hbm>>) dst(%arg6 : memref<100000xf32, #tpu.memory_space<vmem>>)
    %parallel_loop3A_181 = arith.constant 0 : i32
    %parallel_loop3A_182 = arith.constant 256 : i32
    %parallel_loop3A_183 = arith.constant 1 : i32
    %parallel_loop3A_184:4 = scf.for %parallel_loop3A_259 = %parallel_loop3A_181 to %parallel_loop3A_182 step %parallel_loop3A_183 iter_args(%parallel_loop3A_260 = %parallel_loop3A_138#0, %parallel_loop3A_261 = %parallel_loop3A_138#1, %parallel_loop3A_262 = %parallel_loop3A_138#2, %parallel_loop3A_263 = %parallel_loop3A_138#3) -> (vector<16xf32>, vector<16xf32>, vector<16xf32>, vector<16xf32>)  : i32 {
      %parallel_loop3A_264 = arith.constant 16 : i32
      %parallel_loop3A_265 = arith.muli %parallel_loop3A_259, %parallel_loop3A_264 : i32
      %parallel_loop3A_266 = arith.index_cast %parallel_loop3A_265 : i32 to index
      %parallel_loop3A_267 = tpu.vector_load %arg9[%parallel_loop3A_266] {strides = array<i32>} : memref<4096xi32, #tpu.memory_space<vmem>>, vector<16xi32>,
      %parallel_loop3A_268 = tpu.vector_load_idx %arg6[%parallel_loop3A_267] : memref<100000xf32, #tpu.memory_space<vmem>>[vector<16xi32>], vector<16xf32>,
      %parallel_loop3A_269 = arith.constant 16 : i32
      %parallel_loop3A_270 = arith.muli %parallel_loop3A_259, %parallel_loop3A_269 : i32
      %parallel_loop3A_271 = arith.index_cast %parallel_loop3A_270 : i32 to index
      %parallel_loop3A_272 = tpu.vector_load %arg7[%parallel_loop3A_271] {strides = array<i32>} : memref<4096xf32, #tpu.memory_space<vmem>>, vector<16xf32>,
      %parallel_loop3A_273 = arith.subf %parallel_loop3A_272, %parallel_loop3A_268 : vector<16xf32>
      %parallel_loop3A_274 = arith.mulf %parallel_loop3A_273, %parallel_loop3A_273 : vector<16xf32>
      %parallel_loop3A_275 = arith.addf %parallel_loop3A_260, %parallel_loop3A_274 : vector<16xf32>
      scf.yield %parallel_loop3A_261, %parallel_loop3A_262, %parallel_loop3A_263, %parallel_loop3A_275 : vector<16xf32>, vector<16xf32>, vector<16xf32>, vector<16xf32>
    } {sc.loop_unroll_factor = 8 : i64, sc.parallel_access}
    %dma_wait3A_185 = arith.constant 4096 : i32
    %dma_wait3A_186 = tpu.memref_slice %arg3[%dma_wait3A_185] : memref<16384xi32, #tpu.memory_space<hbm>> -> memref<4096xi32, #tpu.memory_space<hbm>>
    %dma_wait3A_187 = arith.constant 4096 : i32
    %dma_wait3A_188 = tpu.memref_slice %arg3[%dma_wait3A_187] : memref<16384xi32, #tpu.memory_space<hbm>> -> memref<4096xi32, #tpu.memory_space<hbm>>
    tpu.wait_dma2 semaphore(%arg16 : memref<!tpu.dma_semaphore, #tpu.memory_space<semaphore_mem>>) src(%dma_wait3A_188 : memref<4096xi32, #tpu.memory_space<hbm>>) dst(%arg10 : memref<4096xi32, #tpu.memory_space<vmem>>)
    %dma_wait3A_189 = arith.constant 4096 : i32
    %dma_wait3A_190 = tpu.memref_slice %arg2[%add3A_164, %dma_wait3A_189] : memref<64x16384xf32, #tpu.memory_space<hbm>> -> memref<1x4096xf32, #tpu.memory_space<hbm>>
    %dma_wait3A_191 = tpu.memref_squeeze %dma_wait3A_190 : memref<1x4096xf32, #tpu.memory_space<hbm>> -> memref<4096xf32, #tpu.memory_space<hbm>>
    %dma_wait3A_192 = arith.constant 4096 : i32
    %dma_wait3A_193 = tpu.memref_slice %arg2[%add3A_164, %dma_wait3A_192] : memref<64x16384xf32, #tpu.memory_space<hbm>> -> memref<1x4096xf32, #tpu.memory_space<hbm>>
    %dma_wait3A_194 = tpu.memref_squeeze %dma_wait3A_193 : memref<1x4096xf32, #tpu.memory_space<hbm>> -> memref<4096xf32, #tpu.memory_space<hbm>>
    tpu.wait_dma2 semaphore(%arg14 : memref<!tpu.dma_semaphore, #tpu.memory_space<semaphore_mem>>) src(%dma_wait3A_194 : memref<4096xf32, #tpu.memory_space<hbm>>) dst(%arg8 : memref<4096xf32, #tpu.memory_space<vmem>>)
    %mul3A_195 = arith.constant 2 : i32
    %mul3A_196 = arith.muli %add3A, %mul3A_195 : i32
    %add3A_197 = arith.constant 1 : i32
    %add3A_198 = arith.addi %mul3A_196, %add3A_197 : i32
    %dma_start3A_199 = arith.constant 8192 : i32
    %dma_start3A_200 = tpu.memref_slice %arg3[%dma_start3A_199] : memref<16384xi32, #tpu.memory_space<hbm>> -> memref<4096xi32, #tpu.memory_space<hbm>>
    %dma_start3A_201 = arith.constant 8192 : i32
    %dma_start3A_202 = tpu.memref_slice %arg3[%dma_start3A_201] : memref<16384xi32, #tpu.memory_space<hbm>> -> memref<4096xi32, #tpu.memory_space<hbm>>
    tpu.enqueue_dma source(%dma_start3A_202 : memref<4096xi32, #tpu.memory_space<hbm>>) target(%arg9 : memref<4096xi32, #tpu.memory_space<vmem>>) target_semaphore(%arg15 : memref<!tpu.dma_semaphore, #tpu.memory_space<semaphore_mem>>)
    %dma_start3A_203 = arith.constant 8192 : i32
    %dma_start3A_204 = tpu.memref_slice %arg2[%add3A_198, %dma_start3A_203] : memref<64x16384xf32, #tpu.memory_space<hbm>> -> memref<1x4096xf32, #tpu.memory_space<hbm>>
    %dma_start3A_205 = tpu.memref_squeeze %dma_start3A_204 : memref<1x4096xf32, #tpu.memory_space<hbm>> -> memref<4096xf32, #tpu.memory_space<hbm>>
    %dma_start3A_206 = arith.constant 8192 : i32
    %dma_start3A_207 = tpu.memref_slice %arg2[%add3A_198, %dma_start3A_206] : memref<64x16384xf32, #tpu.memory_space<hbm>> -> memref<1x4096xf32, #tpu.memory_space<hbm>>
    %dma_start3A_208 = tpu.memref_squeeze %dma_start3A_207 : memref<1x4096xf32, #tpu.memory_space<hbm>> -> memref<4096xf32, #tpu.memory_space<hbm>>
    tpu.enqueue_dma source(%dma_start3A_208 : memref<4096xf32, #tpu.memory_space<hbm>>) target(%arg7 : memref<4096xf32, #tpu.memory_space<vmem>>) target_semaphore(%arg13 : memref<!tpu.dma_semaphore, #tpu.memory_space<semaphore_mem>>)
    %parallel_loop3A_209 = arith.constant 0 : i32
    %parallel_loop3A_210 = arith.constant 256 : i32
    %parallel_loop3A_211 = arith.constant 1 : i32
    %parallel_loop3A_212:4 = scf.for %parallel_loop3A_259 = %parallel_loop3A_209 to %parallel_loop3A_210 step %parallel_loop3A_211 iter_args(%parallel_loop3A_260 = %parallel_loop3A_184#0, %parallel_loop3A_261 = %parallel_loop3A_184#1, %parallel_loop3A_262 = %parallel_loop3A_184#2, %parallel_loop3A_263 = %parallel_loop3A_184#3) -> (vector<16xf32>, vector<16xf32>, vector<16xf32>, vector<16xf32>)  : i32 {
      %parallel_loop3A_264 = arith.constant 16 : i32
      %parallel_loop3A_265 = arith.muli %parallel_loop3A_259, %parallel_loop3A_264 : i32
      %parallel_loop3A_266 = arith.index_cast %parallel_loop3A_265 : i32 to index
      %parallel_loop3A_267 = tpu.vector_load %arg10[%parallel_loop3A_266] {strides = array<i32>} : memref<4096xi32, #tpu.memory_space<vmem>>, vector<16xi32>,
      %parallel_loop3A_268 = tpu.vector_load_idx %arg6[%parallel_loop3A_267] : memref<100000xf32, #tpu.memory_space<vmem>>[vector<16xi32>], vector<16xf32>,
      %parallel_loop3A_269 = arith.constant 16 : i32
      %parallel_loop3A_270 = arith.muli %parallel_loop3A_259, %parallel_loop3A_269 : i32
      %parallel_loop3A_271 = arith.index_cast %parallel_loop3A_270 : i32 to index
      %parallel_loop3A_272 = tpu.vector_load %arg8[%parallel_loop3A_271] {strides = array<i32>} : memref<4096xf32, #tpu.memory_space<vmem>>, vector<16xf32>,
      %parallel_loop3A_273 = arith.subf %parallel_loop3A_272, %parallel_loop3A_268 : vector<16xf32>
      %parallel_loop3A_274 = arith.mulf %parallel_loop3A_273, %parallel_loop3A_273 : vector<16xf32>
      %parallel_loop3A_275 = arith.addf %parallel_loop3A_260, %parallel_loop3A_274 : vector<16xf32>
      scf.yield %parallel_loop3A_261, %parallel_loop3A_262, %parallel_loop3A_263, %parallel_loop3A_275 : vector<16xf32>, vector<16xf32>, vector<16xf32>, vector<16xf32>
    } {sc.loop_unroll_factor = 8 : i64, sc.parallel_access}
    %dma_wait3A_213 = arith.constant 8192 : i32
    %dma_wait3A_214 = tpu.memref_slice %arg3[%dma_wait3A_213] : memref<16384xi32, #tpu.memory_space<hbm>> -> memref<4096xi32, #tpu.memory_space<hbm>>
    %dma_wait3A_215 = arith.constant 8192 : i32
    %dma_wait3A_216 = tpu.memref_slice %arg3[%dma_wait3A_215] : memref<16384xi32, #tpu.memory_space<hbm>> -> memref<4096xi32, #tpu.memory_space<hbm>>
    tpu.wait_dma2 semaphore(%arg15 : memref<!tpu.dma_semaphore, #tpu.memory_space<semaphore_mem>>) src(%dma_wait3A_216 : memref<4096xi32, #tpu.memory_space<hbm>>) dst(%arg9 : memref<4096xi32, #tpu.memory_space<vmem>>)
    %dma_wait3A_217 = arith.constant 8192 : i32
    %dma_wait3A_218 = tpu.memref_slice %arg2[%add3A_198, %dma_wait3A_217] : memref<64x16384xf32, #tpu.memory_space<hbm>> -> memref<1x4096xf32, #tpu.memory_space<hbm>>
    %dma_wait3A_219 = tpu.memref_squeeze %dma_wait3A_218 : memref<1x4096xf32, #tpu.memory_space<hbm>> -> memref<4096xf32, #tpu.memory_space<hbm>>
    %dma_wait3A_220 = arith.constant 8192 : i32
    %dma_wait3A_221 = tpu.memref_slice %arg2[%add3A_198, %dma_wait3A_220] : memref<64x16384xf32, #tpu.memory_space<hbm>> -> memref<1x4096xf32, #tpu.memory_space<hbm>>
    %dma_wait3A_222 = tpu.memref_squeeze %dma_wait3A_221 : memref<1x4096xf32, #tpu.memory_space<hbm>> -> memref<4096xf32, #tpu.memory_space<hbm>>
    tpu.wait_dma2 semaphore(%arg13 : memref<!tpu.dma_semaphore, #tpu.memory_space<semaphore_mem>>) src(%dma_wait3A_222 : memref<4096xf32, #tpu.memory_space<hbm>>) dst(%arg7 : memref<4096xf32, #tpu.memory_space<vmem>>)
    %mul3A_223 = arith.constant 2 : i32
    %mul3A_224 = arith.muli %add3A, %mul3A_223 : i32
    %add3A_225 = arith.constant 1 : i32
    %add3A_226 = arith.addi %mul3A_224, %add3A_225 : i32
    %dma_start3A_227 = arith.constant 12288 : i32
    %dma_start3A_228 = tpu.memref_slice %arg3[%dma_start3A_227] : memref<16384xi32, #tpu.memory_space<hbm>> -> memref<4096xi32, #tpu.memory_space<hbm>>
    %dma_start3A_229 = arith.constant 12288 : i32
    %dma_start3A_230 = tpu.memref_slice %arg3[%dma_start3A_229] : memref<16384xi32, #tpu.memory_space<hbm>> -> memref<4096xi32, #tpu.memory_space<hbm>>
    tpu.enqueue_dma source(%dma_start3A_230 : memref<4096xi32, #tpu.memory_space<hbm>>) target(%arg10 : memref<4096xi32, #tpu.memory_space<vmem>>) target_semaphore(%arg16 : memref<!tpu.dma_semaphore, #tpu.memory_space<semaphore_mem>>)
    %dma_start3A_231 = arith.constant 12288 : i32
    %dma_start3A_232 = tpu.memref_slice %arg2[%add3A_226, %dma_start3A_231] : memref<64x16384xf32, #tpu.memory_space<hbm>> -> memref<1x4096xf32, #tpu.memory_space<hbm>>
    %dma_start3A_233 = tpu.memref_squeeze %dma_start3A_232 : memref<1x4096xf32, #tpu.memory_space<hbm>> -> memref<4096xf32, #tpu.memory_space<hbm>>
    %dma_start3A_234 = arith.constant 12288 : i32
    %dma_start3A_235 = tpu.memref_slice %arg2[%add3A_226, %dma_start3A_234] : memref<64x16384xf32, #tpu.memory_space<hbm>> -> memref<1x4096xf32, #tpu.memory_space<hbm>>
    %dma_start3A_236 = tpu.memref_squeeze %dma_start3A_235 : memref<1x4096xf32, #tpu.memory_space<hbm>> -> memref<4096xf32, #tpu.memory_space<hbm>>
    tpu.enqueue_dma source(%dma_start3A_236 : memref<4096xf32, #tpu.memory_space<hbm>>) target(%arg8 : memref<4096xf32, #tpu.memory_space<vmem>>) target_semaphore(%arg14 : memref<!tpu.dma_semaphore, #tpu.memory_space<semaphore_mem>>)
    %parallel_loop3A_237 = arith.constant 0 : i32
    %parallel_loop3A_238 = arith.constant 256 : i32
    %parallel_loop3A_239 = arith.constant 1 : i32
    %parallel_loop3A_240:4 = scf.for %parallel_loop3A_259 = %parallel_loop3A_237 to %parallel_loop3A_238 step %parallel_loop3A_239 iter_args(%parallel_loop3A_260 = %parallel_loop3A_212#0, %parallel_loop3A_261 = %parallel_loop3A_212#1, %parallel_loop3A_262 = %parallel_loop3A_212#2, %parallel_loop3A_263 = %parallel_loop3A_212#3) -> (vector<16xf32>, vector<16xf32>, vector<16xf32>, vector<16xf32>)  : i32 {
      %parallel_loop3A_264 = arith.constant 16 : i32
      %parallel_loop3A_265 = arith.muli %parallel_loop3A_259, %parallel_loop3A_264 : i32
      %parallel_loop3A_266 = arith.index_cast %parallel_loop3A_265 : i32 to index
      %parallel_loop3A_267 = tpu.vector_load %arg9[%parallel_loop3A_266] {strides = array<i32>} : memref<4096xi32, #tpu.memory_space<vmem>>, vector<16xi32>,
      %parallel_loop3A_268 = tpu.vector_load_idx %arg6[%parallel_loop3A_267] : memref<100000xf32, #tpu.memory_space<vmem>>[vector<16xi32>], vector<16xf32>,
      %parallel_loop3A_269 = arith.constant 16 : i32
      %parallel_loop3A_270 = arith.muli %parallel_loop3A_259, %parallel_loop3A_269 : i32
      %parallel_loop3A_271 = arith.index_cast %parallel_loop3A_270 : i32 to index
      %parallel_loop3A_272 = tpu.vector_load %arg7[%parallel_loop3A_271] {strides = array<i32>} : memref<4096xf32, #tpu.memory_space<vmem>>, vector<16xf32>,
      %parallel_loop3A_273 = arith.subf %parallel_loop3A_272, %parallel_loop3A_268 : vector<16xf32>
      %parallel_loop3A_274 = arith.mulf %parallel_loop3A_273, %parallel_loop3A_273 : vector<16xf32>
      %parallel_loop3A_275 = arith.addf %parallel_loop3A_260, %parallel_loop3A_274 : vector<16xf32>
      scf.yield %parallel_loop3A_261, %parallel_loop3A_262, %parallel_loop3A_263, %parallel_loop3A_275 : vector<16xf32>, vector<16xf32>, vector<16xf32>, vector<16xf32>
    } {sc.loop_unroll_factor = 8 : i64, sc.parallel_access}
    %dma_wait3A_241 = arith.constant 12288 : i32
    %dma_wait3A_242 = tpu.memref_slice %arg3[%dma_wait3A_241] : memref<16384xi32, #tpu.memory_space<hbm>> -> memref<4096xi32, #tpu.memory_space<hbm>>
    %dma_wait3A_243 = arith.constant 12288 : i32
    %dma_wait3A_244 = tpu.memref_slice %arg3[%dma_wait3A_243] : memref<16384xi32, #tpu.memory_space<hbm>> -> memref<4096xi32, #tpu.memory_space<hbm>>
    tpu.wait_dma2 semaphore(%arg16 : memref<!tpu.dma_semaphore, #tpu.memory_space<semaphore_mem>>) src(%dma_wait3A_244 : memref<4096xi32, #tpu.memory_space<hbm>>) dst(%arg10 : memref<4096xi32, #tpu.memory_space<vmem>>)
    %dma_wait3A_245 = arith.constant 12288 : i32
    %dma_wait3A_246 = tpu.memref_slice %arg2[%add3A_226, %dma_wait3A_245] : memref<64x16384xf32, #tpu.memory_space<hbm>> -> memref<1x4096xf32, #tpu.memory_space<hbm>>
    %dma_wait3A_247 = tpu.memref_squeeze %dma_wait3A_246 : memref<1x4096xf32, #tpu.memory_space<hbm>> -> memref<4096xf32, #tpu.memory_space<hbm>>
    %dma_wait3A_248 = arith.constant 12288 : i32
    %dma_wait3A_249 = tpu.memref_slice %arg2[%add3A_226, %dma_wait3A_248] : memref<64x16384xf32, #tpu.memory_space<hbm>> -> memref<1x4096xf32, #tpu.memory_space<hbm>>
    %dma_wait3A_250 = tpu.memref_squeeze %dma_wait3A_249 : memref<1x4096xf32, #tpu.memory_space<hbm>> -> memref<4096xf32, #tpu.memory_space<hbm>>
    tpu.wait_dma2 semaphore(%arg14 : memref<!tpu.dma_semaphore, #tpu.memory_space<semaphore_mem>>) src(%dma_wait3A_250 : memref<4096xf32, #tpu.memory_space<hbm>>) dst(%arg8 : memref<4096xf32, #tpu.memory_space<vmem>>)
    %parallel_loop3A_251 = arith.constant 0 : i32
    %parallel_loop3A_252 = arith.constant 256 : i32
    %parallel_loop3A_253 = arith.constant 1 : i32
    %parallel_loop3A_254:4 = scf.for %parallel_loop3A_259 = %parallel_loop3A_251 to %parallel_loop3A_252 step %parallel_loop3A_253 iter_args(%parallel_loop3A_260 = %parallel_loop3A_240#0, %parallel_loop3A_261 = %parallel_loop3A_240#1, %parallel_loop3A_262 = %parallel_loop3A_240#2, %parallel_loop3A_263 = %parallel_loop3A_240#3) -> (vector<16xf32>, vector<16xf32>, vector<16xf32>, vector<16xf32>)  : i32 {
      %parallel_loop3A_264 = arith.constant 16 : i32
      %parallel_loop3A_265 = arith.muli %parallel_loop3A_259, %parallel_loop3A_264 : i32
      %parallel_loop3A_266 = arith.index_cast %parallel_loop3A_265 : i32 to index
      %parallel_loop3A_267 = tpu.vector_load %arg10[%parallel_loop3A_266] {strides = array<i32>} : memref<4096xi32, #tpu.memory_space<vmem>>, vector<16xi32>,
      %parallel_loop3A_268 = tpu.vector_load_idx %arg6[%parallel_loop3A_267] : memref<100000xf32, #tpu.memory_space<vmem>>[vector<16xi32>], vector<16xf32>,
      %parallel_loop3A_269 = arith.constant 16 : i32
      %parallel_loop3A_270 = arith.muli %parallel_loop3A_259, %parallel_loop3A_269 : i32
      %parallel_loop3A_271 = arith.index_cast %parallel_loop3A_270 : i32 to index
      %parallel_loop3A_272 = tpu.vector_load %arg8[%parallel_loop3A_271] {strides = array<i32>} : memref<4096xf32, #tpu.memory_space<vmem>>, vector<16xf32>,
      %parallel_loop3A_273 = arith.subf %parallel_loop3A_272, %parallel_loop3A_268 : vector<16xf32>
      %parallel_loop3A_274 = arith.mulf %parallel_loop3A_273, %parallel_loop3A_273 : vector<16xf32>
      %parallel_loop3A_275 = arith.addf %parallel_loop3A_260, %parallel_loop3A_274 : vector<16xf32>
      scf.yield %parallel_loop3A_261, %parallel_loop3A_262, %parallel_loop3A_263, %parallel_loop3A_275 : vector<16xf32>, vector<16xf32>, vector<16xf32>, vector<16xf32>
    } {sc.loop_unroll_factor = 8 : i64, sc.parallel_access}
    %add3A_255 = arith.addf %parallel_loop3A_254#0, %parallel_loop3A_254#1 : vector<16xf32>
    %add3A_256 = arith.addf %parallel_loop3A_254#2, %parallel_loop3A_254#3 : vector<16xf32>
    %add3A_257 = arith.addf %add3A_255, %add3A_256 : vector<16xf32>
    %swap3A = arith.constant 0 : index
    %swap3A_258 = tpu.vector_load %arg11[%swap3A] {strides = array<i32>} : memref<16xf32, #tpu.memory_space<vmem>>, vector<16xf32>,
    tpu.vector_store %arg11[%swap3A], %add3A_257 {strides = array<i32>} : memref<16xf32, #tpu.memory_space<vmem>>, vector<16xf32>,
    "tpu.region"() ({
      %run_scoped3A = tpu.sem_alloc : memref<!tpu.dma_semaphore, #tpu.memory_space<semaphore_mem>>
      %dma_start3A_259 = arith.constant 0 : i32
      %dma_start3A_260 = tpu.memref_slice %arg5[%add3A, %dma_start3A_259] : memref<32x16xf32, #tpu.memory_space<hbm>> -> memref<1x16xf32, #tpu.memory_space<hbm>>
      %dma_start3A_261 = tpu.memref_squeeze %dma_start3A_260 : memref<1x16xf32, #tpu.memory_space<hbm>> -> memref<16xf32, #tpu.memory_space<hbm>>
      %dma_start3A_262 = arith.constant 0 : i32
      %dma_start3A_263 = tpu.memref_slice %arg5[%add3A, %dma_start3A_262] : memref<32x16xf32, #tpu.memory_space<hbm>> -> memref<1x16xf32, #tpu.memory_space<hbm>>
      %dma_start3A_264 = tpu.memref_squeeze %dma_start3A_263 : memref<1x16xf32, #tpu.memory_space<hbm>> -> memref<16xf32, #tpu.memory_space<hbm>>
      tpu.enqueue_dma source(%arg11 : memref<16xf32, #tpu.memory_space<vmem>>) target(%dma_start3A_264 : memref<16xf32, #tpu.memory_space<hbm>>) target_semaphore(%run_scoped3A : memref<!tpu.dma_semaphore, #tpu.memory_space<semaphore_mem>>)
      %dma_wait3A_265 = arith.constant 0 : i32
      %dma_wait3A_266 = tpu.memref_slice %arg5[%add3A, %dma_wait3A_265] : memref<32x16xf32, #tpu.memory_space<hbm>> -> memref<1x16xf32, #tpu.memory_space<hbm>>
      %dma_wait3A_267 = tpu.memref_squeeze %dma_wait3A_266 : memref<1x16xf32, #tpu.memory_space<hbm>> -> memref<16xf32, #tpu.memory_space<hbm>>
      %dma_wait3A_268 = arith.constant 0 : i32
      %dma_wait3A_269 = tpu.memref_slice %arg5[%add3A, %dma_wait3A_268] : memref<32x16xf32, #tpu.memory_space<hbm>> -> memref<1x16xf32, #tpu.memory_space<hbm>>
      %dma_wait3A_270 = tpu.memref_squeeze %dma_wait3A_269 : memref<1x16xf32, #tpu.memory_space<hbm>> -> memref<16xf32, #tpu.memory_space<hbm>>
      tpu.wait_dma2 semaphore(%run_scoped3A : memref<!tpu.dma_semaphore, #tpu.memory_space<semaphore_mem>>) src(%arg11 : memref<16xf32, #tpu.memory_space<vmem>>) dst(%dma_wait3A_270 : memref<16xf32, #tpu.memory_space<hbm>>)
      tpu.yield
    }) : () -> ()
    return
  }
}

</mosaic_0001>

<sc_bundles>
// kernel: kernel.3.cloned.1.call-start
scs
__scs_entry_jumppad:
0x0: {  	(pc) =	sbr.rel $0x88, $3  }
0x1: {  	(tag) =	ssettag $0x0;
	lr =	simm.s32 $0x1  }
0x2: {  	[smem:$0x3F9E] =	sst lr;
	_ =	strace $0xD0000000  }
0x3: {  	_ = 	snop  }
0x4: {  	_ = 	snop  }
0x5: {  	_ = 	snop  }
0x6: {  	_ = 	snop  }
0x7: {  	_ = 	snop  }
__scs_overlays_trampoline_lowered:
0x8: {  	[smem:$0x3FAD] =	sst s0  }
0x9: {  	[smem:$0x3FAE] =	sst s1  }
0xa: {  	[smem:$0x3FAF] =	sst s2  }
0xb: {  	[smem:$0x3FB0] =	sst s3  }
0xc: {  	[smem:$0x3FB1] =	sst s4  }
0xd: {  	[smem:$0x3FB2] =	sst s5  }
0xe: {  	[smem:$0x3FB3] =	sst s6  }
0xf: {  	[smem:$0x3FB4] =	sst s7  }
0x10: {  	[smem:$0x3FB5] =	sst s8  }
0x11: {  	[smem:$0x3FB6] =	sst s9;
	s0 =	simm.s32 @!p0 $0x0  }
0x12: {  	s1 =	sld [smem:$0x3F9C];
	s0 =	simm.s32 @p0 $0x1  }
0x13: {  	[smem:$0x3FB7] =	sst s0;
	s0 =	simm.s32 @!p1 $0x0  }
0x14: {  	s2 =	sld [smem:$0x3F9B];
	s0 =	simm.s32 @p1 $0x1  }
0x15: {  	[smem:$0x3FB8] =	sst s0;
	s0 =	simm.s32 @!p2 $0x0  }
0x16: {  	s3 =	sld [smem:$0x3FDB];
	s0 =	simm.s32 @p2 $0x1  }
0x17: {  	s4 =	simm.s32 $0x1BF5;
	[smem:$0x3FBA] =	sst s0  }
0x18: {  	s0 =	sld [smem:$0x3F9D];
	_ =	swait.ge [sflag:s4], $0x0  }
0x19: {  	s7 =	sld [smem:$0x3F9E]  }
0x1a: {  	s8 =	sadd.s32 $0xFFFFE003, lr  }
0x1b: {  	s9 =	sadd.s32 $0xFFFFFEF7, lr;
	s5 =	simm.s32 $0xFFFFFFFF;
	p2 =	slt.u32 s8, $0xFFFFF086  }
0x1c: {  	p1 =	slt.u32 s9, $0xF7A;
	s5 =	simm.s32 @!p2 $0x0  }
0x1d: {  	s5 =	simm.s32 @p1 $0x1;
	p0 =	seq.s32 s7, s2  }
0x1e: {  	s7 =	smul.u32 @!p0 $0xF7A, s2;
	p2 =	seq.s32 @!p0 s5, $0x0  }
0x1f: {  	s9 =	smul.u32 $0xF7A, s1;
	s8 =	simm.s32 @!p0 $0x1BF5;
	p2 =	por !p2, p0  }
0x20: {  	[sflag:s8] =	ssyncset.s32 @!p0 $0xFFFFF086;
	s6 =	sadd.s32 @!p0 s3, s7;
	s7 =	simm.s32 @!p0 $0x108  }
0x21: {  	s3 =	sadd.s32 s3, s9;
	s6 =	sadd.s32 @!p0 $0x88, s6;
	s7 =	simm.s32 @p2 $0x1082  }
0x22: {  	[simem:s7], [sflag:s8] =	dma.local @!p0 [hbm:s6], $0xF7A  }
0x23: {  	s9 =	sor.u32 $0xD0000000, s2;
	s6 =	simm.s32 $0x108;
	_ =	swait.ge @!p0 [sflag:s8], $0x0  }
0x24: {  	s3 =	sadd.s32 $0x88, s3;
	s6 =	simm.s32 @!p1 $0x1082;
	[sflag:s4] =	ssyncset.s32 $0xFFFFF086  }
0x25: {  	[simem:s6], [sflag:s4] =	dma.local [hbm:s3], $0xF7A  }
0x26: {  	[smem:$0x3F9E] =	sst s1;
	(tag) =	ssettag s2;
	_ =	strace s9  }
0x27: {  	s1 =	sld [smem:$0x3FAE]  }
0x28: {  	s2 =	sld [smem:$0x3FAF]  }
0x29: {  	s4 =	sld [smem:$0x3FB1]  }
0x2a: {  	p0 =	seq.s32 s5, $0x0;
	s5 =	sld [smem:$0x3FB2]  }
0x2b: {  	s6 =	sld [smem:$0x3FB3]  }
0x2c: {  	s7 =	sld [smem:$0x3FB4]  }
0x2d: {  	s3 =	simm.s32 $0x108;
	s8 =	sld [smem:$0x3FB5]  }
0x2e: {  	s3 =	simm.s32 @!p0 $0x1082;
	s9 =	sld [smem:$0x3FB6]  }
0x2f: {  	lr =	sadd.s32 s0, s3;
	s0 =	sld [smem:$0x3FAD]  }
0x30: {  	s3 =	sld [smem:$0x3FB0]  }
0x31: {  	[smem:$0x3FB9] =	sst s10  }
0x32: {  	s10 =	sld [smem:$0x3FB7];
	_ =	sdelay $0x3  }
0x33: {  	p0 =	seq.s32 s10, $0x1;
	s10 =	sld [smem:$0x3FB9];
	_ =	sdelay $0x3  }
0x34: {  	[smem:$0x3FB9] =	sst s10  }
0x35: {  	s10 =	sld [smem:$0x3FB8];
	_ =	sdelay $0x3  }
0x36: {  	p1 =	seq.s32 s10, $0x1;
	s10 =	sld [smem:$0x3FB9];
	_ =	sdelay $0x3  }
0x37: {  	[smem:$0x3FB9] =	sst s10  }
0x38: {  	s10 =	sld [smem:$0x3FBA]  }
0x39: {  	_ = 	snop;
	(pc) =	sbr.ind lr, $3  }
0x3a: {  	_ = 	snop  }
0x3b: {  	_ = 	snop  }
0x3c: {  	p2 =	seq.s32 s10, $0x1;
	s10 =	sld [smem:$0x3FB9]  }
0x3d: {  	_ =	shalt  }
0x3e: {  	_ =	shalt  }
0x3f: {  	_ =	shalt  }
0x40: {  	_ =	shalt  }
0x41: {  	_ =	shalt  }
0x42: {  	_ =	shalt  }
0x43: {  	_ =	shalt  }
0x44: {  	_ =	shalt  }
0x45: {  	_ =	shalt  }
0x46: {  	_ =	shalt  }
0x47: {  	_ =	shalt  }
0x48: {  	_ =	shalt  }
0x49: {  	_ =	shalt  }
0x4a: {  	_ =	shalt  }
0x4b: {  	_ =	shalt  }
0x4c: {  	_ =	shalt  }
0x4d: {  	_ =	shalt  }
0x4e: {  	_ =	shalt  }
0x4f: {  	_ =	shalt  }
0x50: {  	_ =	shalt  }
0x51: {  	_ =	shalt  }
0x52: {  	_ =	shalt  }
0x53: {  	_ =	shalt  }
0x54: {  	_ =	shalt  }
0x55: {  	_ =	shalt  }
0x56: {  	_ =	shalt  }
0x57: {  	_ =	shalt  }
0x58: {  	_ =	shalt  }
0x59: {  	_ =	shalt  }
0x5a: {  	_ =	shalt  }
0x5b: {  	_ =	shalt  }
0x5c: {  	_ =	shalt  }
0x5d: {  	_ =	shalt  }
0x5e: {  	_ =	shalt  }
0x5f: {  	_ =	shalt  }
0x60: {  	_ =	shalt  }
0x61: {  	_ =	shalt  }
0x62: {  	_ =	shalt  }
0x63: {  	_ =	shalt  }
0x64: {  	_ =	shalt  }
0x65: {  	_ =	shalt  }
0x66: {  	_ =	shalt  }
0x67: {  	_ =	shalt  }
0x68: {  	_ =	shalt  }
0x69: {  	_ =	shalt  }
0x6a: {  	_ =	shalt  }
0x6b: {  	_ =	shalt  }
0x6c: {  	_ =	shalt  }
0x6d: {  	_ =	shalt  }
0x6e: {  	_ =	shalt  }
0x6f: {  	_ =	shalt  }
0x70: {  	_ =	shalt  }
0x71: {  	_ =	shalt  }
0x72: {  	_ =	shalt  }
0x73: {  	_ =	shalt  }
0x74: {  	_ =	shalt  }
0x75: {  	_ =	shalt  }
0x76: {  	_ =	shalt  }
0x77: {  	_ =	shalt  }
0x78: {  	_ =	shalt  }
0x79: {  	_ =	shalt  }
0x7a: {  	_ =	shalt  }
0x7b: {  	_ =	shalt  }
0x7c: {  	_ =	shalt  }
0x7d: {  	_ =	shalt  }
0x7e: {  	_ =	shalt  }
0x7f: {  	_ =	shalt  }
0x80: {  	_ =	shalt  }
0x81: {  	_ =	shalt  }
0x82: {  	_ =	shalt  }
0x83: {  	_ =	shalt  }
0x84: {  	_ =	shalt  }
0x85: {  	_ =	shalt  }
0x86: {  	_ =	shalt  }
0x87: {  	_ =	shalt  }
.Lfunc_end0:
.L_simem_size_0:
called_computation_lowered:
.L_overlay_start_0:
0x88: {  	s2 =	sld [smem:$0x3FD9]  }
0x89: {  	s3 =	sld [smem:$0x3FFE];
	_ =	sdelay $0x1  }
0x8a: {  	s1 =	srdreg.scid  }
0x8b: {  	s0 =	sand.u32 $0x1, s1  }
0x8c: {  	s17 =	sshll.u32 s0, $0xA;
	s2 =	sadd.s32 s3, s2  }
0x8d: {  	s2 =	sadd.s32 s2, s17  }
0x8e: {  	[smem:$0x3FC5] =	sst s2  }
0x8f: {  	_ = 	snop  }
0x90: {  	s2 =	sld [smem:$0x3FC9]  }
0x91: {  	s18 =	sld [smem:$0x3FC8]  }
0x92: {  	s4 =	sld [smem:$0x3FC7];
	(tm) =	ssettm $0x1  }
0x93: {  	s5 =	sld [smem:$0x3FFB];
	_ =	sdelay $0x3  }
0x94: {  	_ =	strace s5  }
0x95: {  	s5 =	sld [smem:$0x3FFC];
	_ =	sdelay $0x3  }
0x96: {  	_ =	strace s5  }
0x97: {  	s5 =	sld [smem:$0x3FFD];
	_ =	sdelay $0x3  }
0x98: {  	_ =	strace s5  }
0x99: {  	_ =	strace $0x8FFFFFFF  }
0x9a: {  	s19 =	sld [smem:$0x3FDB];
	_ =	sdelay $0x1  }
0x9b: {  	s6 =	simm.s32 $_scs_section_size  }
0x9c: {  	s7 =	simm.s32 $_size__tile_overlayer_lowered;
	s8 =	simm.s32 $_tile_overlayer_lowered  }
0x9d: {  	s22 =	simm.s32 $0x1BFF;
	s21 =	sshll.u32 s8, $0x1;
	s5 =	sadd.s32 s6, s19  }
0x9e: {  	s9 =	simm.s32 $0x0;
	s20 =	sshll.u32 s7, $0x1;
	s7 =	sadd.s32 s21, s5  }
0x9f: {  	[timem:s9], [sflag:s22] =	dma.local [hbm:s7], s20  }
0xa0: {  	_ =	swait.ge [sflag:s22], s20  }
0xa1: {  	s6 =	ssub.s32 $0x0, s20;
	[sflag:s22] =	ssyncset.done $0x0  }
0xa2: {  	[sflag:s22] =	ssyncadd.s32 s6;
	_ =	sdelay $0x1  }
0xa3: {  	s23 =	simm.s32 $0x1B8B  }
0xa4: {  	_ =	swait.ge [sflag:s23], $0x1  }
0xa5: {  	[sflag:s23] =	ssyncset.done $0x0  }
0xa6: {  	s25 =	simm.s32 $0x1B8E;
	s24 =	sld [smem:$0x3FFE];
	[sflag:s23] =	ssyncadd.s32 $0xFFFFFFFF  }
0xa7: {  	s26 =	simm.s32 $execute0_lowered;
	[smem:$0x3FD2] =	sst s25  }
0xa8: {  	s7 =	sshll.u32 s26, $0x1;
	_ =	strace $0x80000046;
	[dreg:$0x1] =	wrdreg $0xFFFFFFFF  }
0xa9: {  	s28 =	simm.s32 $_size_execute0_lowered;
	s5 =	sadd.s32 s5, s7;
	[dreg:$0x0] =	wrdreg $0x0  }
0xaa: {  	s7 =	sshll.u32 s28, $0x1;
	[dreg:$0x2] =	wrdreg s5  }
0xab: {  	[dreg:$0x3] =	wrdreg s7  }
0xac: {  	[dreg:$0x4] =	wrdreg $0xC0  }
0xad: {  	_ =	task [dreg:s9], $0x5FFFF  }
0xae: {  	[dreg:$0x1] =	wrdreg $0xFFFFFFFF  }
0xaf: {  	[dreg:$0x0] =	wrdreg $0x60  }
0xb0: {  	[dreg:$0x2] =	wrdreg s2  }
0xb1: {  	[dreg:$0x3] =	wrdreg s18  }
0xb2: {  	[dreg:$0x4] =	wrdreg s4  }
0xb3: {  	[dreg:$0x5] =	wrdreg s24  }
0xb4: {  	[dreg:$0x6] =	wrdreg $0x9  }
0xb5: {  	_ =	task.clear_ibuf [dreg:s9], $0x7FFFF;
	_ =	strace $0x90000046  }
0xb6: {  	s29 =	simm.s32 $0x9;
	_ =	strace $0x80000048  }
0xb7: {  	_ =	swait.ge [sflag:s29], $0x1  }
0xb8: {  	[sflag:s29] =	ssyncadd.s32 $0xFFFFFFFF  }
0xb9: {  	_ =	strace $0x90000048  }
0xba: {  	_ =	sfence  }
0xbb: {  	s30 =	sld [smem:$0x0];
	_ =	sdelay $0x2  }
0xbc: {  	s31 =	sshll.u32 s1, $0xD;
	s1 =	sshrl.u32 s1, $0x2  }
0xbd: {  	s3 =	sand.u32 $0x4000, s31;
	s1 =	sadd.s32 s1, s30  }
0xbe: {  	s0 =	sor.u32 s3, s0;
	s1 =	sshll.u32 s1, $0x11  }
0xbf: {  	s0 =	sor.u32 s1, s0  }
0xc0: {  	s0 =	sadd.s32 $0x8F2B, s0  }
0xc1: {  	[sflag:s0] =	ssyncadd.remote.s32 $0x1  }
0xc2: {  	_ =	sfence.sel $0xFFFF  }
0xc3: {  	[dreg:$0x0] =	wrdreg $0xFFFFFFFF;
	(pc) =	sbr.abs _section_cstart, $3  }
0xc4: {  	[dreg:$0x1] =	wrdreg $0xFFFFFFFF  }
0xc5: {  	_ =	task.clear_ibuf [dreg:s9], $0x2FFFF;
	_ =	strace $0x9FFFFFFF  }
0xc6: {  	(tm) =	ssettm $0x7FFFFFFF  }
0xc7: {  	_ =	shalt  }
tec
execute0_lowered:
.L_overlay_start_1:
0x0: {  	(tag) =	ssettag $0x1  }
0x1: {  	s0 =	rddreg [dreg:$0x0]  }
0x2: {  	s1 =	rddreg [dreg:$0x1]  }
0x3: {  	s2 =	rddreg [dreg:$0x2]  }
0x4: {  	s4 =	rddreg [dreg:$0x3]  }
0x5: {  	s5 =	srdreg.scid;
	s7 =	stileid.u32  }
0x6: {  	s3 =	simm.s32 $0x0;
	s20 =	simm.s32 $0x80;
	s21 =	simm.s32 $0x400  }
0x7: {  	s28 =	simm.s32 $0x1;
	s29 =	simm.s32 $0x5;
	s30 =	simm.s32 $0x3  }
0x8: {  	s5 =	sand.u32 $0x1, s5;
	s6 =	sshll.u32 s7, $0x1;
	[smem:$0x7FF] =	sst s3  }
0x9: {  	s22 =	sshrl.u32 s7, $0x1;
	s14 =	sadd.s32 $0x1000, s0;
	s8 =	sadd.s32 $0x400, s1  }
0xa: {  	s16 =	sadd.s32 $0x2000, s0;
	s10 =	sadd.s32 $0x600, s1;
	s18 =	sadd.s32 $0x3000, s0  }
0xb: {  	s15 =	sor.u32 s5, s6;
	s5 =	ssub.s32 $0x2, s5;
	s11 =	sshll.u32 s22, $0x11  }
0xc: {  	s12 =	smul.u32 $0xC3800, s22;
	_ =	strace $0x80000047;
	s22 =	simm.s32 $0x18700  }
0xd: {  	s23 =	sshll.u32 s15, $0x8;
	s24 =	sshrl.u32 s5, $0x1;
	s31 =	sshll.u32 s15, $0x4  }
0xe: {  	s9 =	sand.u32 $0x300, s23;
	s5 =	ssub.s32 s5, s24;
	s23 =	simm.s32 $0x4  }
0xf: {  	s24 =	simm.s32 $0x2;
	s7 =	sor.u32 s11, s9;
	s25 =	sor.u32 s12, s9  }
0x10: {  	s17 =	sor.u32 $0x80, s9;
	s13 =	sshrl.u32 s7, $0x3;
	s6 =	sshrl.u32 s25, $0x3  }
0x11: {  	s11 =	sor.u32 s11, s17;
	s17 =	sor.u32 s12, s17;
	s25 =	simm.s32 $0x1B700  }
0x12: {  	s7 =	sadd.s32 s0, s13;
	s6 =	sadd.s32 s2, s6;
	s9 =	sadd.s32 s13, s16  }
0x13: {  	s19 =	sshrl.u32 s11, $0x3;
	s11 =	sadd.s32 s13, s18;
	[dreg:$0x5] =	wrdreg s7  }
0x14: {  	s26 =	sshrl.u32 s17, $0x3;
	s17 =	sadd.s32 s4, s31;
	[dreg:$0x6] =	wrdreg s6  }
0x15: {  	s6 =	sadd.s32 $0x200, s1;
	s7 =	sadd.s32 s13, s14;
	s12 =	sadd.s32 s0, s19  }
0x16: {  	s13 =	sadd.s32 s2, s26;
	s14 =	sadd.s32 s19, s14;
	s15 =	sadd.s32 s19, s16  }
0x17: {  	s16 =	sadd.s32 s19, s18;
	s18 =	smax.u32 s5, $0x1;
	s19 =	simm.s32 $0x1A700  }
0x18: {  	s26 =	simm.s32 $0x19700;
	s0 =	simm.s32 $0x6;
	s2 =	simm.s32 $0x0  }
.LBB2_1:
0x19: {  	[tilespmem:s19], [sflag:$0x4] =	stream.linear.gather [hbm4b:s1+s3], $0x1000, $0x38;
	[tilespmem:$0x1C780] =	vst v63  }
0x1a: {  	s4 =	rddreg [dreg:$0x5]  }
0x1b: {  	[tilespmem:s22], [sflag:$0x2] =	stream.strided.gather [hbm4b:s4+s20], $0x1000, s21, s20, $0x38;
	[tilespmem:$0x1C780] =	vst v63  }
0x1c: {  	s5 =	rddreg [dreg:$0x6]  }
0x1d: {  	[tilespmem:s3], [sflag:$0x1] =	stream.strided.gather [hbm4b:s5+s20], $0x18700, s21, s20, $0x38;
	[tilespmem:$0x1C780] =	vst v63  }
0x1e: {  	_ =	swait.ge [sflag:s23], $0x1000  }
0x1f: {  	[sflag:s23] =	ssyncset.done $0x0  }
0x20: {  	[sflag:s23] =	ssyncadd.s32 $0xFFFFF000  }
0x21: {  	_ =	swait.ge [sflag:s24], $0x1000  }
0x22: {  	[sflag:s24] =	ssyncset.done $0x0  }
0x23: {  	[sflag:s24] =	ssyncadd.s32 $0xFFFFF000  }
0x24: {  	[tilespmem:s25], [sflag:$0x5] =	stream.linear.gather [hbm4b:s6+s3], $0x1000, $0x38;
	[tilespmem:$0x1C780] =	vst v63  }
0x25: {  	_ = 	snop  }
0x26: {  	[tilespmem:s26], [sflag:$0x3] =	stream.strided.gather [hbm4b:s7+s20], $0x1000, s21, s20, $0x38;
	[tilespmem:$0x1C780] =	vst v63  }
0x27: {  	_ =	swait.ge [sflag:s28], $0x18700  }
0x28: {  	[sflag:s28] =	ssyncset.done $0x0  }
0x29: {  	s5 =	simm.s32 $0x18740;
	[sflag:s28] =	ssyncadd.s32 $0xFFFE7900  }
0x2a: {  	v0 =	vld [tilespmem:s5+$0x0]  }
0x2b: {  	v1 =	vld [tilespmem:s5+$0x10]  }
0x2c: {  	v6 =	vld [tilespmem:s5+$0x20]  }
0x2d: {  	v8 =	vld [tilespmem:s5+$0xFFFFFFC0]  }
0x2e: {  	v9 =	vld [tilespmem:s5+$0xFFFFFFD0]  }
0x2f: {  	v10 =	vld [tilespmem:s5+$0xFFFFFFE0]  }
0x30: {  	s31 =	simm.s32 $0x1A740;
	v11 =	vld [tilespmem:s5+$0xFFFFFFF0]  }
0x31: {  	v2 =	vld [tilespmem:s31+$0x0]  }
0x32: {  	v3 =	vld [tilespmem:s31+$0x10]  }
0x33: {  	v4 =	vld [tilespmem:s31+$0xFFFFFFC0]  }
0x34: {  	v5 =	vld [tilespmem:s31+$0xFFFFFFD0]  }
0x35: {  	v7 =	vld [tilespmem:s31+$0xFFFFFFE0]  }
0x36: {  	v12 =	vld [tilespmem:s31+$0xFFFFFFF0]  }
0x37: {  	v13 =	vld [tilespmem:s31+$0x20]  }
0x38: {  	v14 =	vld [tilespmem:s31+$0x30]  }
0x39: {  	v19 =	vld [tilespmem:s5+$0x30]  }
0x3a: {  	v2 =	vld.idx.msk [tilespmem:v2+s3+$0x0], $0xffff  }
0x3b: {  	v16 =	vld.idx.msk [tilespmem:v3+s3+$0x0], $0xffff  }
0x3c: {  	v24 =	vld.idx.msk [tilespmem:v4+s3+$0x0], $0xffff  }
0x3d: {  	v23 =	vld.idx.msk [tilespmem:v5+s3+$0x0], $0xffff  }
0x3e: {  	v22 =	vld.idx.msk [tilespmem:v7+s3+$0x0], $0xffff  }
0x3f: {  	v20 =	vld.idx.msk [tilespmem:v12+s3+$0x0], $0xffff  }
0x40: {  	v15 =	vimm.f32 $0.0e+00;
	v18 =	vld.idx.msk [tilespmem:v13+s3+$0x0], $0xffff;
	v13 =	vimm.f32 $0.0e+00  }
0x41: {  	s4 =	simm.s32 $0x0;
	s5 =	simm.s32 $0x187C0;
	v17 =	vld.idx.msk [tilespmem:v14+s3+$0x0], $0xffff;
	v14 =	vimm.f32 $0.0e+00;
	v12 =	vimm.f32 $0.0e+00;
	v21 =	vsub.f32 v0, v2  }
.LBB2_2:
0x42: {  	v0 =	vld [tilespmem:s5+$0x0];
	v2 =	vsub.f32 v8, v24;
	v3 =	vsub.f32 v1, v16  }
0x43: {  	v4 =	vsub.f32 v9, v23;
	v5 =	vsub.f32 v10, v22;
	v1 =	vld [tilespmem:s5+$0x10]  }
0x44: {  	v10 =	vsub.f32 v11, v20;
	v16 =	vmul.f32 v21, v21;
	v7 =	vld [tilespmem:s5+$0x20];
	v3 =	vmul.f32 v3, v3  }
0x45: {  	v2 =	vmul.f32 v2, v2;
	v4 =	vmul.f32 v4, v4;
	v6 =	vsub.f32 v6, v18;
	v8 =	vld [tilespmem:s5+$0xFFFFFFC0]  }
0x46: {  	v5 =	vmul.f32 v5, v5;
	v18 =	vmul.f32 v10, v10;
	v9 =	vld [tilespmem:s5+$0xFFFFFFD0];
	v17 =	vsub.f32 v19, v17  }
0x47: {  	v2 =	vadd.f32 v2, v13;
	v4 =	vadd.f32 v4, v15;
	v19 =	vmul.f32 v6, v6;
	v10 =	vld [tilespmem:s5+$0xFFFFFFE0]  }
0x48: {  	s31 =	sadd.s32 $0x80, s31;
	v5 =	vadd.f32 v5, v14;
	v12 =	vadd.f32 v18, v12;
	v11 =	vld [tilespmem:s5+$0xFFFFFFF0];
	v17 =	vmul.f32 v17, v17  }
0x49: {  	v13 =	vadd.f32 v16, v2;
	v15 =	vadd.f32 v3, v4;
	v18 =	vld [tilespmem:s31+$0x0];
	v6 =	vmov v7  }
0x4a: {  	v14 =	vadd.f32 v19, v5;
	v2 =	vld [tilespmem:s31+$0x10];
	v12 =	vadd.f32 v17, v12  }
0x4b: {  	v3 =	vld [tilespmem:s31+$0xFFFFFFC0]  }
0x4c: {  	v4 =	vld [tilespmem:s31+$0xFFFFFFD0]  }
0x4d: {  	v5 =	vld [tilespmem:s31+$0xFFFFFFE0]  }
0x4e: {  	s4 =	sadd.s32 $0x8, s4;
	v7 =	vld [tilespmem:s31+$0xFFFFFFF0]  }
0x4f: {  	p0 =	slt.u32 s4, $0xF8;
	v17 =	vld [tilespmem:s31+$0x20]  }
0x50: {  	v19 =	vld [tilespmem:s31+$0x30]  }
0x51: {  	v21 =	vld.idx.msk [tilespmem:v18+s3+$0x0], $0xffff  }
0x52: {  	v16 =	vld.idx.msk [tilespmem:v2+s3+$0x0], $0xffff  }
0x53: {  	v24 =	vld.idx.msk [tilespmem:v3+s3+$0x0], $0xffff  }
0x54: {  	v23 =	vld.idx.msk [tilespmem:v4+s3+$0x0], $0xffff  }
.Ltmp0:
0x55: {  	v22 =	vld.idx.msk [tilespmem:v5+s3+$0x0], $0xffff;
	(pc) =	sbr.rel @p0 .LBB2_2-.Ltmp0, $4  }
0x56: {  	v20 =	vld.idx.msk [tilespmem:v7+s3+$0x0], $0xffff  }
0x57: {  	v18 =	vld.idx.msk [tilespmem:v17+s3+$0x0], $0xffff  }
0x58: {  	v17 =	vld.idx.msk [tilespmem:v19+s3+$0x0], $0xffff  }
0x59: {  	v21 =	vsub.f32 v0, v21;
	v19 =	vld [tilespmem:s5+$0x30];
	s5 =	sadd.s32 $0x80, s5  }
0x5a: {  	_ =	swait.ge [sflag:s29], $0x1000  }
0x5b: {  	[sflag:s29] =	ssyncset.done $0x0  }
0x5c: {  	[sflag:s29] =	ssyncadd.s32 $0xFFFFF000  }
0x5d: {  	_ =	swait.ge [sflag:s30], $0x1000  }
0x5e: {  	[sflag:s30] =	ssyncset.done $0x0  }
0x5f: {  	[sflag:s30] =	ssyncadd.s32 $0xFFFFF000  }
0x60: {  	[tilespmem:s19], [sflag:$0x4] =	stream.linear.gather [hbm4b:s8+s3], $0x1000, $0x38;
	[tilespmem:$0x1C780] =	vst v63  }
0x61: {  	s5 =	simm.s32 $0x19740  }
0x62: {  	[tilespmem:s22], [sflag:$0x2] =	stream.strided.gather [hbm4b:s9+s20], $0x1000, s21, s20, $0x38;
	[tilespmem:$0x1C780] =	vst v63  }
0x63: {  	v25 =	vld [tilespmem:s5+$0x0]  }
0x64: {  	v0 =	vld [tilespmem:s5+$0x10]  }
0x65: {  	v2 =	vld [tilespmem:s5+$0x20]  }
0x66: {  	v3 =	vld [tilespmem:s5+$0xFFFFFFC0]  }
0x67: {  	v4 =	vld [tilespmem:s5+$0xFFFFFFD0]  }
0x68: {  	v5 =	vld [tilespmem:s5+$0xFFFFFFE0]  }
0x69: {  	s31 =	simm.s32 $0x1B740;
	v7 =	vld [tilespmem:s5+$0xFFFFFFF0]  }
0x6a: {  	v26 =	vld [tilespmem:s31+$0x0]  }
0x6b: {  	v27 =	vld [tilespmem:s31+$0x10]  }
0x6c: {  	v28 =	vld [tilespmem:s31+$0xFFFFFFC0]  }
0x6d: {  	v29 =	vld [tilespmem:s31+$0xFFFFFFD0]  }
0x6e: {  	v30 =	vld [tilespmem:s31+$0xFFFFFFE0]  }
0x6f: {  	v31 =	vld [tilespmem:s31+$0xFFFFFFF0]  }
0x70: {  	v32 =	vld [tilespmem:s31+$0x20]  }
0x71: {  	v8 =	vsub.f32 v8, v24;
	v24 =	vld [tilespmem:s31+$0x30]  }
0x72: {  	v9 =	vsub.f32 v9, v23;
	v1 =	vsub.f32 v1, v16;
	v23 =	vld.idx.msk [tilespmem:v26+s3+$0x0], $0xffff  }
0x73: {  	v10 =	vsub.f32 v10, v22;
	v11 =	vsub.f32 v11, v20;
	v16 =	vld.idx.msk [tilespmem:v27+s3+$0x0], $0xffff  }
0x74: {  	v8 =	vmul.f32 v8, v8;
	v6 =	vsub.f32 v6, v18;
	v9 =	vmul.f32 v9, v9;
	v18 =	vld.idx.msk [tilespmem:v28+s3+$0x0], $0xffff  }
0x75: {  	v10 =	vmul.f32 v10, v10;
	v1 =	vmul.f32 v1, v1;
	v17 =	vsub.f32 v19, v17;
	v19 =	vld.idx.msk [tilespmem:v29+s3+$0x0], $0xffff  }
0x76: {  	v11 =	vmul.f32 v11, v11;
	v8 =	vadd.f32 v8, v13;
	v13 =	vmul.f32 v21, v21;
	v21 =	vld.idx.msk [tilespmem:v30+s3+$0x0], $0xffff  }
0x77: {  	v9 =	vadd.f32 v9, v15;
	v10 =	vadd.f32 v10, v14;
	v6 =	vmul.f32 v6, v6;
	v22 =	vld.idx.msk [tilespmem:v31+s3+$0x0], $0xffff  }
0x78: {  	v11 =	vadd.f32 v11, v12;
	v14 =	vadd.f32 v13, v8;
	v8 =	vmul.f32 v17, v17;
	v20 =	vld.idx.msk [tilespmem:v32+s3+$0x0], $0xffff  }
0x79: {  	v15 =	vadd.f32 v1, v9;
	v13 =	vadd.f32 v6, v10;
	v17 =	vld.idx.msk [tilespmem:v24+s3+$0x0], $0xffff  }
0x7a: {  	s4 =	simm.s32 $0x0;
	v12 =	vadd.f32 v8, v11;
	v24 =	vsub.f32 v25, v23;
	v23 =	vld [tilespmem:s5+$0x30];
	s5 =	simm.s32 $0x197C0  }
.LBB2_4:
0x7b: {  	v1 =	vld [tilespmem:s5+$0x0];
	v6 =	vsub.f32 v3, v18;
	v3 =	vsub.f32 v0, v16  }
0x7c: {  	v4 =	vsub.f32 v4, v19;
	v5 =	vsub.f32 v5, v21;
	v0 =	vld [tilespmem:s5+$0x10]  }
0x7d: {  	v7 =	vsub.f32 v7, v22;
	v9 =	vmul.f32 v24, v24;
	v8 =	vld [tilespmem:s5+$0x20];
	v10 =	vmul.f32 v3, v3  }
0x7e: {  	v6 =	vmul.f32 v6, v6;
	v11 =	vmul.f32 v4, v4;
	v2 =	vsub.f32 v2, v20;
	v3 =	vld [tilespmem:s5+$0xFFFFFFC0]  }
0x7f: {  	v16 =	vmul.f32 v5, v5;
	v18 =	vmul.f32 v7, v7;
	v4 =	vld [tilespmem:s5+$0xFFFFFFD0];
	v17 =	vsub.f32 v23, v17  }
0x80: {  	v6 =	vadd.f32 v6, v14;
	v11 =	vadd.f32 v11, v15;
	v19 =	vmul.f32 v2, v2;
	v5 =	vld [tilespmem:s5+$0xFFFFFFE0]  }
0x81: {  	s31 =	sadd.s32 $0x80, s31;
	v13 =	vadd.f32 v16, v13;
	v12 =	vadd.f32 v18, v12;
	v7 =	vld [tilespmem:s5+$0xFFFFFFF0];
	v16 =	vmul.f32 v17, v17  }
0x82: {  	v14 =	vadd.f32 v9, v6;
	v15 =	vadd.f32 v10, v11;
	v17 =	vld [tilespmem:s31+$0x0];
	v2 =	vmov v8  }
0x83: {  	v13 =	vadd.f32 v19, v13;
	v6 =	vld [tilespmem:s31+$0x10];
	v12 =	vadd.f32 v16, v12  }
0x84: {  	v8 =	vld [tilespmem:s31+$0xFFFFFFC0]  }
0x85: {  	v9 =	vld [tilespmem:s31+$0xFFFFFFD0]  }
0x86: {  	v10 =	vld [tilespmem:s31+$0xFFFFFFE0]  }
0x87: {  	s4 =	sadd.s32 $0x8, s4;
	v11 =	vld [tilespmem:s31+$0xFFFFFFF0]  }
0x88: {  	p0 =	slt.u32 s4, $0xF8;
	v20 =	vld [tilespmem:s31+$0x20]  }
0x89: {  	v23 =	vld [tilespmem:s31+$0x30]  }
0x8a: {  	v24 =	vld.idx.msk [tilespmem:v17+s3+$0x0], $0xffff  }
0x8b: {  	v16 =	vld.idx.msk [tilespmem:v6+s3+$0x0], $0xffff  }
0x8c: {  	v18 =	vld.idx.msk [tilespmem:v8+s3+$0x0], $0xffff  }
0x8d: {  	v19 =	vld.idx.msk [tilespmem:v9+s3+$0x0], $0xffff  }
.Ltmp1:
0x8e: {  	v21 =	vld.idx.msk [tilespmem:v10+s3+$0x0], $0xffff;
	(pc) =	sbr.rel @p0 .LBB2_4-.Ltmp1, $4  }
0x8f: {  	v22 =	vld.idx.msk [tilespmem:v11+s3+$0x0], $0xffff  }
0x90: {  	v20 =	vld.idx.msk [tilespmem:v20+s3+$0x0], $0xffff  }
0x91: {  	v17 =	vld.idx.msk [tilespmem:v23+s3+$0x0], $0xffff  }
0x92: {  	v24 =	vsub.f32 v1, v24;
	v23 =	vld [tilespmem:s5+$0x30];
	s5 =	sadd.s32 $0x80, s5  }
0x93: {  	_ =	swait.ge [sflag:s23], $0x1000  }
0x94: {  	[sflag:s23] =	ssyncset.done $0x0  }
0x95: {  	[sflag:s23] =	ssyncadd.s32 $0xFFFFF000  }
0x96: {  	_ =	swait.ge [sflag:s24], $0x1000  }
0x97: {  	[sflag:s24] =	ssyncset.done $0x0  }
0x98: {  	[sflag:s24] =	ssyncadd.s32 $0xFFFFF000  }
0x99: {  	[tilespmem:s25], [sflag:$0x5] =	stream.linear.gather [hbm4b:s10+s3], $0x1000, $0x38;
	[tilespmem:$0x1C780] =	vst v63  }
0x9a: {  	s5 =	simm.s32 $0x18740  }
0x9b: {  	[tilespmem:s26], [sflag:$0x3] =	stream.strided.gather [hbm4b:s11+s20], $0x1000, s21, s20, $0x38;
	[tilespmem:$0x1C780] =	vst v63  }
0x9c: {  	v25 =	vld [tilespmem:s5+$0x0]  }
0x9d: {  	v1 =	vld [tilespmem:s5+$0x10]  }
0x9e: {  	v6 =	vld [tilespmem:s5+$0x20]  }
0x9f: {  	v8 =	vld [tilespmem:s5+$0xFFFFFFC0]  }
0xa0: {  	v9 =	vld [tilespmem:s5+$0xFFFFFFD0]  }
0xa1: {  	v10 =	vld [tilespmem:s5+$0xFFFFFFE0]  }
0xa2: {  	s31 =	simm.s32 $0x1A740;
	v11 =	vld [tilespmem:s5+$0xFFFFFFF0]  }
0xa3: {  	v26 =	vld [tilespmem:s31+$0x0]  }
0xa4: {  	v27 =	vld [tilespmem:s31+$0x10]  }
0xa5: {  	v28 =	vld [tilespmem:s31+$0xFFFFFFC0]  }
0xa6: {  	v29 =	vld [tilespmem:s31+$0xFFFFFFD0]  }
0xa7: {  	v30 =	vld [tilespmem:s31+$0xFFFFFFE0]  }
0xa8: {  	v31 =	vld [tilespmem:s31+$0xFFFFFFF0]  }
0xa9: {  	v32 =	vld [tilespmem:s31+$0x20]  }
0xaa: {  	v3 =	vsub.f32 v3, v18;
	v33 =	vld [tilespmem:s31+$0x30]  }
0xab: {  	v4 =	vsub.f32 v4, v19;
	v17 =	vsub.f32 v23, v17;
	v23 =	vld [tilespmem:s5+$0x30]  }
0xac: {  	v0 =	vsub.f32 v0, v16;
	v5 =	vsub.f32 v5, v21;
	v26 =	vld.idx.msk [tilespmem:v26+s3+$0x0], $0xffff  }
0xad: {  	v7 =	vsub.f32 v7, v22;
	v3 =	vmul.f32 v3, v3;
	v4 =	vmul.f32 v4, v4;
	v16 =	vld.idx.msk [tilespmem:v27+s3+$0x0], $0xffff  }
0xae: {  	v2 =	vsub.f32 v2, v20;
	v5 =	vmul.f32 v5, v5;
	v0 =	vmul.f32 v0, v0;
	v18 =	vld.idx.msk [tilespmem:v28+s3+$0x0], $0xffff  }
0xaf: {  	v7 =	vmul.f32 v7, v7;
	v3 =	vadd.f32 v3, v14;
	v14 =	vmul.f32 v24, v24;
	v19 =	vld.idx.msk [tilespmem:v29+s3+$0x0], $0xffff  }
0xb0: {  	v4 =	vadd.f32 v4, v15;
	v5 =	vadd.f32 v5, v13;
	v2 =	vmul.f32 v2, v2;
	v21 =	vld.idx.msk [tilespmem:v30+s3+$0x0], $0xffff  }
0xb1: {  	v7 =	vadd.f32 v7, v12;
	v14 =	vadd.f32 v14, v3;
	v3 =	vmul.f32 v17, v17;
	v22 =	vld.idx.msk [tilespmem:v31+s3+$0x0], $0xffff  }
0xb2: {  	v15 =	vadd.f32 v0, v4;
	v13 =	vadd.f32 v2, v5;
	v20 =	vld.idx.msk [tilespmem:v32+s3+$0x0], $0xffff  }
0xb3: {  	s4 =	simm.s32 $0x0;
	v12 =	vadd.f32 v3, v7;
	s5 =	simm.s32 $0x187C0;
	v17 =	vld.idx.msk [tilespmem:v33+s3+$0x0], $0xffff;
	v24 =	vsub.f32 v25, v26  }
.LBB2_6:
0xb4: {  	v0 =	vld [tilespmem:s5+$0x0];
	v2 =	vsub.f32 v8, v18;
	v3 =	vsub.f32 v1, v16  }
0xb5: {  	v4 =	vsub.f32 v9, v19;
	v5 =	vsub.f32 v10, v21;
	v1 =	vld [tilespmem:s5+$0x10]  }
0xb6: {  	v10 =	vsub.f32 v11, v22;
	v16 =	vmul.f32 v24, v24;
	v7 =	vld [tilespmem:s5+$0x20];
	v3 =	vmul.f32 v3, v3  }
0xb7: {  	v2 =	vmul.f32 v2, v2;
	v4 =	vmul.f32 v4, v4;
	v6 =	vsub.f32 v6, v20;
	v8 =	vld [tilespmem:s5+$0xFFFFFFC0]  }
0xb8: {  	v5 =	vmul.f32 v5, v5;
	v18 =	vmul.f32 v10, v10;
	v9 =	vld [tilespmem:s5+$0xFFFFFFD0];
	v17 =	vsub.f32 v23, v17  }
0xb9: {  	v2 =	vadd.f32 v2, v14;
	v4 =	vadd.f32 v4, v15;
	v19 =	vmul.f32 v6, v6;
	v10 =	vld [tilespmem:s5+$0xFFFFFFE0]  }
0xba: {  	s31 =	sadd.s32 $0x80, s31;
	v5 =	vadd.f32 v5, v13;
	v12 =	vadd.f32 v18, v12;
	v11 =	vld [tilespmem:s5+$0xFFFFFFF0];
	v17 =	vmul.f32 v17, v17  }
0xbb: {  	v14 =	vadd.f32 v16, v2;
	v15 =	vadd.f32 v3, v4;
	v18 =	vld [tilespmem:s31+$0x0];
	v6 =	vmov v7  }
0xbc: {  	v13 =	vadd.f32 v19, v5;
	v2 =	vld [tilespmem:s31+$0x10];
	v12 =	vadd.f32 v17, v12  }
0xbd: {  	v3 =	vld [tilespmem:s31+$0xFFFFFFC0]  }
0xbe: {  	v4 =	vld [tilespmem:s31+$0xFFFFFFD0]  }
0xbf: {  	v5 =	vld [tilespmem:s31+$0xFFFFFFE0]  }
0xc0: {  	s4 =	sadd.s32 $0x8, s4;
	v7 =	vld [tilespmem:s31+$0xFFFFFFF0]  }
0xc1: {  	p0 =	slt.u32 s4, $0xF8;
	v17 =	vld [tilespmem:s31+$0x20]  }
0xc2: {  	v23 =	vld [tilespmem:s31+$0x30]  }
0xc3: {  	v24 =	vld.idx.msk [tilespmem:v18+s3+$0x0], $0xffff  }
0xc4: {  	v16 =	vld.idx.msk [tilespmem:v2+s3+$0x0], $0xffff  }
0xc5: {  	v18 =	vld.idx.msk [tilespmem:v3+s3+$0x0], $0xffff  }
0xc6: {  	v19 =	vld.idx.msk [tilespmem:v4+s3+$0x0], $0xffff  }
.Ltmp2:
0xc7: {  	v21 =	vld.idx.msk [tilespmem:v5+s3+$0x0], $0xffff;
	(pc) =	sbr.rel @p0 .LBB2_6-.Ltmp2, $4  }
0xc8: {  	v22 =	vld.idx.msk [tilespmem:v7+s3+$0x0], $0xffff  }
0xc9: {  	v20 =	vld.idx.msk [tilespmem:v17+s3+$0x0], $0xffff  }
0xca: {  	v17 =	vld.idx.msk [tilespmem:v23+s3+$0x0], $0xffff  }
0xcb: {  	v24 =	vsub.f32 v0, v24;
	v23 =	vld [tilespmem:s5+$0x30];
	s5 =	sadd.s32 $0x80, s5  }
0xcc: {  	_ =	swait.ge [sflag:s29], $0x1000  }
0xcd: {  	[sflag:s29] =	ssyncset.done $0x0  }
0xce: {  	[sflag:s29] =	ssyncadd.s32 $0xFFFFF000  }
0xcf: {  	_ =	swait.ge [sflag:s30], $0x1000  }
0xd0: {  	[sflag:s30] =	ssyncset.done $0x0  }
0xd1: {  	[sflag:s30] =	ssyncadd.s32 $0xFFFFF000  }
0xd2: {  	[tilespmem:s19], [sflag:$0x4] =	stream.linear.gather [hbm4b:s1+s3], $0x1000, $0x38;
	[tilespmem:$0x1C780] =	vst v63  }
0xd3: {  	s5 =	simm.s32 $0x19740  }
0xd4: {  	[tilespmem:s22], [sflag:$0x2] =	stream.strided.gather [hbm4b:s12+s20], $0x1000, s21, s20, $0x38;
	[tilespmem:$0x1C780] =	vst v63  }
0xd5: {  	v25 =	vld [tilespmem:s5+$0x0]  }
0xd6: {  	v0 =	vld [tilespmem:s5+$0x10]  }
0xd7: {  	v2 =	vld [tilespmem:s5+$0x20]  }
0xd8: {  	v3 =	vld [tilespmem:s5+$0xFFFFFFC0]  }
0xd9: {  	v4 =	vld [tilespmem:s5+$0xFFFFFFD0]  }
0xda: {  	v5 =	vld [tilespmem:s5+$0xFFFFFFE0]  }
0xdb: {  	s31 =	simm.s32 $0x1B740;
	v7 =	vld [tilespmem:s5+$0xFFFFFFF0]  }
0xdc: {  	v26 =	vld [tilespmem:s31+$0x0]  }
0xdd: {  	v27 =	vld [tilespmem:s31+$0x10]  }
0xde: {  	v28 =	vld [tilespmem:s31+$0xFFFFFFC0]  }
0xdf: {  	v29 =	vld [tilespmem:s31+$0xFFFFFFD0]  }
0xe0: {  	v30 =	vld [tilespmem:s31+$0xFFFFFFE0]  }
0xe1: {  	v31 =	vld [tilespmem:s31+$0xFFFFFFF0]  }
0xe2: {  	v32 =	vld [tilespmem:s31+$0x20]  }
0xe3: {  	v8 =	vsub.f32 v8, v18;
	v33 =	vld [tilespmem:s31+$0x30]  }
0xe4: {  	v9 =	vsub.f32 v9, v19;
	v17 =	vsub.f32 v23, v17;
	v23 =	vld [tilespmem:s5+$0x30]  }
0xe5: {  	v1 =	vsub.f32 v1, v16;
	v10 =	vsub.f32 v10, v21;
	v26 =	vld.idx.msk [tilespmem:v26+s3+$0x0], $0xffff  }
0xe6: {  	v11 =	vsub.f32 v11, v22;
	v8 =	vmul.f32 v8, v8;
	v9 =	vmul.f32 v9, v9;
	v16 =	vld.idx.msk [tilespmem:v27+s3+$0x0], $0xffff  }
0xe7: {  	v6 =	vsub.f32 v6, v20;
	v10 =	vmul.f32 v10, v10;
	v1 =	vmul.f32 v1, v1;
	v18 =	vld.idx.msk [tilespmem:v28+s3+$0x0], $0xffff  }
0xe8: {  	v11 =	vmul.f32 v11, v11;
	v8 =	vadd.f32 v8, v14;
	v14 =	vmul.f32 v24, v24;
	v19 =	vld.idx.msk [tilespmem:v29+s3+$0x0], $0xffff  }
0xe9: {  	v9 =	vadd.f32 v9, v15;
	v10 =	vadd.f32 v10, v13;
	v6 =	vmul.f32 v6, v6;
	v21 =	vld.idx.msk [tilespmem:v30+s3+$0x0], $0xffff  }
0xea: {  	v11 =	vadd.f32 v11, v12;
	v14 =	vadd.f32 v14, v8;
	v8 =	vmul.f32 v17, v17;
	v22 =	vld.idx.msk [tilespmem:v31+s3+$0x0], $0xffff  }
0xeb: {  	v15 =	vadd.f32 v1, v9;
	v13 =	vadd.f32 v6, v10;
	v20 =	vld.idx.msk [tilespmem:v32+s3+$0x0], $0xffff  }
0xec: {  	s4 =	simm.s32 $0x0;
	v12 =	vadd.f32 v8, v11;
	s5 =	simm.s32 $0x197C0;
	v17 =	vld.idx.msk [tilespmem:v33+s3+$0x0], $0xffff;
	v24 =	vsub.f32 v25, v26  }
.LBB2_8:
0xed: {  	v1 =	vld [tilespmem:s5+$0x0];
	v6 =	vsub.f32 v3, v18;
	v3 =	vsub.f32 v0, v16  }
0xee: {  	v4 =	vsub.f32 v4, v19;
	v5 =	vsub.f32 v5, v21;
	v0 =	vld [tilespmem:s5+$0x10]  }
0xef: {  	v7 =	vsub.f32 v7, v22;
	v9 =	vmul.f32 v24, v24;
	v8 =	vld [tilespmem:s5+$0x20];
	v10 =	vmul.f32 v3, v3  }
0xf0: {  	v6 =	vmul.f32 v6, v6;
	v11 =	vmul.f32 v4, v4;
	v2 =	vsub.f32 v2, v20;
	v3 =	vld [tilespmem:s5+$0xFFFFFFC0]  }
0xf1: {  	v16 =	vmul.f32 v5, v5;
	v18 =	vmul.f32 v7, v7;
	v4 =	vld [tilespmem:s5+$0xFFFFFFD0];
	v17 =	vsub.f32 v23, v17  }
0xf2: {  	v6 =	vadd.f32 v6, v14;
	v11 =	vadd.f32 v11, v15;
	v19 =	vmul.f32 v2, v2;
	v5 =	vld [tilespmem:s5+$0xFFFFFFE0]  }
0xf3: {  	s31 =	sadd.s32 $0x80, s31;
	v13 =	vadd.f32 v16, v13;
	v12 =	vadd.f32 v18, v12;
	v7 =	vld [tilespmem:s5+$0xFFFFFFF0];
	v16 =	vmul.f32 v17, v17  }
0xf4: {  	v14 =	vadd.f32 v9, v6;
	v15 =	vadd.f32 v10, v11;
	v17 =	vld [tilespmem:s31+$0x0];
	v2 =	vmov v8  }
0xf5: {  	v13 =	vadd.f32 v19, v13;
	v6 =	vld [tilespmem:s31+$0x10];
	v12 =	vadd.f32 v16, v12  }
0xf6: {  	v8 =	vld [tilespmem:s31+$0xFFFFFFC0]  }
0xf7: {  	v9 =	vld [tilespmem:s31+$0xFFFFFFD0]  }
0xf8: {  	v10 =	vld [tilespmem:s31+$0xFFFFFFE0]  }
0xf9: {  	s4 =	sadd.s32 $0x8, s4;
	v11 =	vld [tilespmem:s31+$0xFFFFFFF0]  }
0xfa: {  	p0 =	slt.u32 s4, $0xF8;
	v20 =	vld [tilespmem:s31+$0x20]  }
0xfb: {  	v23 =	vld [tilespmem:s31+$0x30]  }
0xfc: {  	v24 =	vld.idx.msk [tilespmem:v17+s3+$0x0], $0xffff  }
0xfd: {  	v16 =	vld.idx.msk [tilespmem:v6+s3+$0x0], $0xffff  }
0xfe: {  	v18 =	vld.idx.msk [tilespmem:v8+s3+$0x0], $0xffff  }
0xff: {  	v19 =	vld.idx.msk [tilespmem:v9+s3+$0x0], $0xffff  }
.Ltmp3:
0x100: {  	v21 =	vld.idx.msk [tilespmem:v10+s3+$0x0], $0xffff;
	(pc) =	sbr.rel @p0 .LBB2_8-.Ltmp3, $4  }
0x101: {  	v22 =	vld.idx.msk [tilespmem:v11+s3+$0x0], $0xffff  }
0x102: {  	v20 =	vld.idx.msk [tilespmem:v20+s3+$0x0], $0xffff  }
0x103: {  	v17 =	vld.idx.msk [tilespmem:v23+s3+$0x0], $0xffff  }
0x104: {  	v24 =	vsub.f32 v1, v24;
	v23 =	vld [tilespmem:s5+$0x30];
	s5 =	sadd.s32 $0x80, s5  }
0x105: {  	[tilespmem:s3], [sflag:$0x1] =	stream.strided.gather [hbm4b:s13+s20], $0x18700, s21, s20, $0x38;
	[tilespmem:$0x1C780] =	vst v63  }
0x106: {  	_ =	swait.ge [sflag:s23], $0x1000  }
0x107: {  	[sflag:s23] =	ssyncset.done $0x0  }
0x108: {  	[sflag:s23] =	ssyncadd.s32 $0xFFFFF000  }
0x109: {  	_ =	swait.ge [sflag:s24], $0x1000  }
0x10a: {  	[sflag:s24] =	ssyncset.done $0x0  }
0x10b: {  	[sflag:s24] =	ssyncadd.s32 $0xFFFFF000  }
0x10c: {  	[tilespmem:s25], [sflag:$0x5] =	stream.linear.gather [hbm4b:s6+s3], $0x1000, $0x38;
	[tilespmem:$0x1C780] =	vst v63  }
0x10d: {  	_ = 	snop  }
0x10e: {  	[tilespmem:s26], [sflag:$0x3] =	stream.strided.gather [hbm4b:s14+s20], $0x1000, s21, s20, $0x38;
	[tilespmem:$0x1C780] =	vst v63  }
0x10f: {  	_ =	swait.ge [sflag:s28], $0x18700  }
0x110: {  	[sflag:s28] =	ssyncset.done $0x0  }
0x111: {  	s5 =	simm.s32 $0x18740;
	[sflag:s28] =	ssyncadd.s32 $0xFFFE7900  }
0x112: {  	v25 =	vld [tilespmem:s5+$0x0]  }
0x113: {  	v1 =	vld [tilespmem:s5+$0x10]  }
0x114: {  	v6 =	vld [tilespmem:s5+$0x20]  }
0x115: {  	v8 =	vld [tilespmem:s5+$0xFFFFFFC0]  }
0x116: {  	v9 =	vld [tilespmem:s5+$0xFFFFFFD0]  }
0x117: {  	v10 =	vld [tilespmem:s5+$0xFFFFFFE0]  }
0x118: {  	s31 =	simm.s32 $0x1A740;
	v11 =	vld [tilespmem:s5+$0xFFFFFFF0]  }
0x119: {  	v26 =	vld [tilespmem:s31+$0x0]  }
0x11a: {  	v27 =	vld [tilespmem:s31+$0x10]  }
0x11b: {  	v28 =	vld [tilespmem:s31+$0xFFFFFFC0]  }
0x11c: {  	v29 =	vld [tilespmem:s31+$0xFFFFFFD0]  }
0x11d: {  	v30 =	vld [tilespmem:s31+$0xFFFFFFE0]  }
0x11e: {  	v31 =	vld [tilespmem:s31+$0xFFFFFFF0]  }
0x11f: {  	v32 =	vld [tilespmem:s31+$0x20]  }
0x120: {  	v3 =	vsub.f32 v3, v18;
	v33 =	vld [tilespmem:s31+$0x30]  }
0x121: {  	v4 =	vsub.f32 v4, v19;
	v17 =	vsub.f32 v23, v17;
	v23 =	vld [tilespmem:s5+$0x30]  }
0x122: {  	v0 =	vsub.f32 v0, v16;
	v5 =	vsub.f32 v5, v21;
	v26 =	vld.idx.msk [tilespmem:v26+s3+$0x0], $0xffff  }
0x123: {  	v7 =	vsub.f32 v7, v22;
	v3 =	vmul.f32 v3, v3;
	v4 =	vmul.f32 v4, v4;
	v16 =	vld.idx.msk [tilespmem:v27+s3+$0x0], $0xffff  }
0x124: {  	v2 =	vsub.f32 v2, v20;
	v5 =	vmul.f32 v5, v5;
	v0 =	vmul.f32 v0, v0;
	v18 =	vld.idx.msk [tilespmem:v28+s3+$0x0], $0xffff  }
0x125: {  	v7 =	vmul.f32 v7, v7;
	v3 =	vadd.f32 v3, v14;
	v14 =	vmul.f32 v24, v24;
	v19 =	vld.idx.msk [tilespmem:v29+s3+$0x0], $0xffff  }
0x126: {  	v4 =	vadd.f32 v4, v15;
	v5 =	vadd.f32 v5, v13;
	v2 =	vmul.f32 v2, v2;
	v21 =	vld.idx.msk [tilespmem:v30+s3+$0x0], $0xffff  }
0x127: {  	v7 =	vadd.f32 v7, v12;
	v14 =	vadd.f32 v14, v3;
	v3 =	vmul.f32 v17, v17;
	v22 =	vld.idx.msk [tilespmem:v31+s3+$0x0], $0xffff  }
0x128: {  	v15 =	vadd.f32 v0, v4;
	v13 =	vadd.f32 v2, v5;
	v20 =	vld.idx.msk [tilespmem:v32+s3+$0x0], $0xffff  }
0x129: {  	s4 =	simm.s32 $0x0;
	v5 =	vadd.f32 v3, v7;
	s5 =	simm.s32 $0x187C0;
	v17 =	vld.idx.msk [tilespmem:v33+s3+$0x0], $0xffff;
	v24 =	vsub.f32 v25, v26  }
.LBB2_10:
0x12a: {  	v0 =	vld [tilespmem:s5+$0x0];
	v2 =	vsub.f32 v8, v18;
	v3 =	vsub.f32 v1, v16  }
0x12b: {  	v4 =	vsub.f32 v9, v19;
	v7 =	vsub.f32 v10, v21;
	v1 =	vld [tilespmem:s5+$0x10]  }
0x12c: {  	v10 =	vsub.f32 v11, v22;
	v16 =	vmul.f32 v24, v24;
	v12 =	vld [tilespmem:s5+$0x20];
	v3 =	vmul.f32 v3, v3  }
0x12d: {  	v2 =	vmul.f32 v2, v2;
	v4 =	vmul.f32 v4, v4;
	v6 =	vsub.f32 v6, v20;
	v8 =	vld [tilespmem:s5+$0xFFFFFFC0]  }
0x12e: {  	v7 =	vmul.f32 v7, v7;
	v18 =	vmul.f32 v10, v10;
	v9 =	vld [tilespmem:s5+$0xFFFFFFD0];
	v17 =	vsub.f32 v23, v17  }
0x12f: {  	v2 =	vadd.f32 v2, v14;
	v4 =	vadd.f32 v4, v15;
	v19 =	vmul.f32 v6, v6;
	v10 =	vld [tilespmem:s5+$0xFFFFFFE0]  }
0x130: {  	s31 =	sadd.s32 $0x80, s31;
	v7 =	vadd.f32 v7, v13;
	v5 =	vadd.f32 v18, v5;
	v11 =	vld [tilespmem:s5+$0xFFFFFFF0];
	v17 =	vmul.f32 v17, v17  }
0x131: {  	v14 =	vadd.f32 v16, v2;
	v15 =	vadd.f32 v3, v4;
	v18 =	vld [tilespmem:s31+$0x0];
	v6 =	vmov v12  }
0x132: {  	v13 =	vadd.f32 v19, v7;
	v2 =	vld [tilespmem:s31+$0x10];
	v5 =	vadd.f32 v17, v5  }
0x133: {  	v3 =	vld [tilespmem:s31+$0xFFFFFFC0]  }
0x134: {  	v4 =	vld [tilespmem:s31+$0xFFFFFFD0]  }
0x135: {  	v7 =	vld [tilespmem:s31+$0xFFFFFFE0]  }
0x136: {  	s4 =	sadd.s32 $0x8, s4;
	v12 =	vld [tilespmem:s31+$0xFFFFFFF0]  }
0x137: {  	p0 =	slt.u32 s4, $0xF8;
	v17 =	vld [tilespmem:s31+$0x20]  }
0x138: {  	v23 =	vld [tilespmem:s31+$0x30]  }
0x139: {  	v24 =	vld.idx.msk [tilespmem:v18+s3+$0x0], $0xffff  }
0x13a: {  	v16 =	vld.idx.msk [tilespmem:v2+s3+$0x0], $0xffff  }
0x13b: {  	v18 =	vld.idx.msk [tilespmem:v3+s3+$0x0], $0xffff  }
0x13c: {  	v19 =	vld.idx.msk [tilespmem:v4+s3+$0x0], $0xffff  }
.Ltmp4:
0x13d: {  	v21 =	vld.idx.msk [tilespmem:v7+s3+$0x0], $0xffff;
	(pc) =	sbr.rel @p0 .LBB2_10-.Ltmp4, $4  }
0x13e: {  	v22 =	vld.idx.msk [tilespmem:v12+s3+$0x0], $0xffff  }
0x13f: {  	v20 =	vld.idx.msk [tilespmem:v17+s3+$0x0], $0xffff  }
0x140: {  	v17 =	vld.idx.msk [tilespmem:v23+s3+$0x0], $0xffff  }
0x141: {  	v24 =	vsub.f32 v0, v24;
	v23 =	vld [tilespmem:s5+$0x30];
	s5 =	sadd.s32 $0x80, s5  }
0x142: {  	_ =	swait.ge [sflag:s29], $0x1000  }
0x143: {  	[sflag:s29] =	ssyncset.done $0x0  }
0x144: {  	[sflag:s29] =	ssyncadd.s32 $0xFFFFF000  }
0x145: {  	_ =	swait.ge [sflag:s30], $0x1000  }
0x146: {  	[sflag:s30] =	ssyncset.done $0x0  }
0x147: {  	[sflag:s30] =	ssyncadd.s32 $0xFFFFF000  }
0x148: {  	[tilespmem:s19], [sflag:$0x4] =	stream.linear.gather [hbm4b:s8+s3], $0x1000, $0x38;
	[tilespmem:$0x1C780] =	vst v63  }
0x149: {  	s5 =	simm.s32 $0x19740  }
0x14a: {  	[tilespmem:s22], [sflag:$0x2] =	stream.strided.gather [hbm4b:s15+s20], $0x1000, s21, s20, $0x38;
	[tilespmem:$0x1C780] =	vst v63  }
0x14b: {  	v25 =	vld [tilespmem:s5+$0x0]  }
0x14c: {  	v0 =	vld [tilespmem:s5+$0x10]  }
0x14d: {  	v2 =	vld [tilespmem:s5+$0x20]  }
0x14e: {  	v3 =	vld [tilespmem:s5+$0xFFFFFFC0]  }
0x14f: {  	v4 =	vld [tilespmem:s5+$0xFFFFFFD0]  }
0x150: {  	v7 =	vld [tilespmem:s5+$0xFFFFFFE0]  }
0x151: {  	s31 =	simm.s32 $0x1B740;
	v12 =	vld [tilespmem:s5+$0xFFFFFFF0]  }
0x152: {  	v26 =	vld [tilespmem:s31+$0x0]  }
0x153: {  	v27 =	vld [tilespmem:s31+$0x10]  }
0x154: {  	v28 =	vld [tilespmem:s31+$0xFFFFFFC0]  }
0x155: {  	v29 =	vld [tilespmem:s31+$0xFFFFFFD0]  }
0x156: {  	v30 =	vld [tilespmem:s31+$0xFFFFFFE0]  }
0x157: {  	v31 =	vld [tilespmem:s31+$0xFFFFFFF0]  }
0x158: {  	v32 =	vld [tilespmem:s31+$0x20]  }
0x159: {  	v8 =	vsub.f32 v8, v18;
	v33 =	vld [tilespmem:s31+$0x30]  }
0x15a: {  	v9 =	vsub.f32 v9, v19;
	v17 =	vsub.f32 v23, v17;
	v23 =	vld [tilespmem:s5+$0x30]  }
0x15b: {  	v1 =	vsub.f32 v1, v16;
	v10 =	vsub.f32 v10, v21;
	v26 =	vld.idx.msk [tilespmem:v26+s3+$0x0], $0xffff  }
0x15c: {  	v11 =	vsub.f32 v11, v22;
	v8 =	vmul.f32 v8, v8;
	v9 =	vmul.f32 v9, v9;
	v16 =	vld.idx.msk [tilespmem:v27+s3+$0x0], $0xffff  }
0x15d: {  	v6 =	vsub.f32 v6, v20;
	v10 =	vmul.f32 v10, v10;
	v1 =	vmul.f32 v1, v1;
	v18 =	vld.idx.msk [tilespmem:v28+s3+$0x0], $0xffff  }
0x15e: {  	v11 =	vmul.f32 v11, v11;
	v8 =	vadd.f32 v8, v14;
	v14 =	vmul.f32 v24, v24;
	v19 =	vld.idx.msk [tilespmem:v29+s3+$0x0], $0xffff  }
0x15f: {  	v9 =	vadd.f32 v9, v15;
	v10 =	vadd.f32 v10, v13;
	v6 =	vmul.f32 v6, v6;
	v21 =	vld.idx.msk [tilespmem:v30+s3+$0x0], $0xffff  }
0x160: {  	v5 =	vadd.f32 v11, v5;
	v14 =	vadd.f32 v14, v8;
	v8 =	vmul.f32 v17, v17;
	v22 =	vld.idx.msk [tilespmem:v31+s3+$0x0], $0xffff  }
0x161: {  	v15 =	vadd.f32 v1, v9;
	v13 =	vadd.f32 v6, v10;
	v20 =	vld.idx.msk [tilespmem:v32+s3+$0x0], $0xffff  }
0x162: {  	s4 =	simm.s32 $0x0;
	v11 =	vadd.f32 v8, v5;
	s5 =	simm.s32 $0x197C0;
	v17 =	vld.idx.msk [tilespmem:v33+s3+$0x0], $0xffff;
	v24 =	vsub.f32 v25, v26  }
.LBB2_12:
0x163: {  	v1 =	vld [tilespmem:s5+$0x0];
	v5 =	vsub.f32 v3, v18;
	v3 =	vsub.f32 v0, v16  }
0x164: {  	v4 =	vsub.f32 v4, v19;
	v6 =	vsub.f32 v7, v21;
	v0 =	vld [tilespmem:s5+$0x10]  }
0x165: {  	v7 =	vsub.f32 v12, v22;
	v9 =	vmul.f32 v24, v24;
	v8 =	vld [tilespmem:s5+$0x20];
	v10 =	vmul.f32 v3, v3  }
0x166: {  	v5 =	vmul.f32 v5, v5;
	v12 =	vmul.f32 v4, v4;
	v2 =	vsub.f32 v2, v20;
	v3 =	vld [tilespmem:s5+$0xFFFFFFC0]  }
0x167: {  	v6 =	vmul.f32 v6, v6;
	v16 =	vmul.f32 v7, v7;
	v4 =	vld [tilespmem:s5+$0xFFFFFFD0];
	v17 =	vsub.f32 v23, v17  }
0x168: {  	v5 =	vadd.f32 v5, v14;
	v15 =	vadd.f32 v12, v15;
	v18 =	vmul.f32 v2, v2;
	v7 =	vld [tilespmem:s5+$0xFFFFFFE0]  }
0x169: {  	s31 =	sadd.s32 $0x80, s31;
	v6 =	vadd.f32 v6, v13;
	v11 =	vadd.f32 v16, v11;
	v12 =	vld [tilespmem:s5+$0xFFFFFFF0];
	v16 =	vmul.f32 v17, v17  }
0x16a: {  	v14 =	vadd.f32 v9, v5;
	v15 =	vadd.f32 v10, v15;
	v17 =	vld [tilespmem:s31+$0x0];
	v2 =	vmov v8  }
0x16b: {  	v13 =	vadd.f32 v18, v6;
	v5 =	vld [tilespmem:s31+$0x10];
	v11 =	vadd.f32 v16, v11  }
0x16c: {  	v6 =	vld [tilespmem:s31+$0xFFFFFFC0]  }
0x16d: {  	v8 =	vld [tilespmem:s31+$0xFFFFFFD0]  }
0x16e: {  	v9 =	vld [tilespmem:s31+$0xFFFFFFE0]  }
0x16f: {  	s4 =	sadd.s32 $0x8, s4;
	v10 =	vld [tilespmem:s31+$0xFFFFFFF0]  }
0x170: {  	p0 =	slt.u32 s4, $0xF8;
	v20 =	vld [tilespmem:s31+$0x20]  }
0x171: {  	v23 =	vld [tilespmem:s31+$0x30]  }
0x172: {  	v24 =	vld.idx.msk [tilespmem:v17+s3+$0x0], $0xffff  }
0x173: {  	v16 =	vld.idx.msk [tilespmem:v5+s3+$0x0], $0xffff  }
0x174: {  	v18 =	vld.idx.msk [tilespmem:v6+s3+$0x0], $0xffff  }
0x175: {  	v19 =	vld.idx.msk [tilespmem:v8+s3+$0x0], $0xffff  }
.Ltmp5:
0x176: {  	v21 =	vld.idx.msk [tilespmem:v9+s3+$0x0], $0xffff;
	(pc) =	sbr.rel @p0 .LBB2_12-.Ltmp5, $4  }
0x177: {  	v22 =	vld.idx.msk [tilespmem:v10+s3+$0x0], $0xffff  }
0x178: {  	v20 =	vld.idx.msk [tilespmem:v20+s3+$0x0], $0xffff  }
0x179: {  	v17 =	vld.idx.msk [tilespmem:v23+s3+$0x0], $0xffff  }
0x17a: {  	v24 =	vsub.f32 v1, v24;
	v23 =	vld [tilespmem:s5+$0x30];
	s5 =	sadd.s32 $0x80, s5  }
0x17b: {  	_ =	swait.ge [sflag:s23], $0x1000  }
0x17c: {  	[sflag:s23] =	ssyncset.done $0x0  }
0x17d: {  	[sflag:s23] =	ssyncadd.s32 $0xFFFFF000  }
0x17e: {  	_ =	swait.ge [sflag:s24], $0x1000  }
0x17f: {  	[sflag:s24] =	ssyncset.done $0x0  }
0x180: {  	[sflag:s24] =	ssyncadd.s32 $0xFFFFF000  }
0x181: {  	[tilespmem:s25], [sflag:$0x5] =	stream.linear.gather [hbm4b:s10+s3], $0x1000, $0x38;
	[tilespmem:$0x1C780] =	vst v63  }
0x182: {  	s5 =	simm.s32 $0x18740  }
0x183: {  	[tilespmem:s26], [sflag:$0x3] =	stream.strided.gather [hbm4b:s16+s20], $0x1000, s21, s20, $0x38;
	[tilespmem:$0x1C780] =	vst v63  }
0x184: {  	v25 =	vld [tilespmem:s5+$0x0]  }
0x185: {  	v1 =	vld [tilespmem:s5+$0x10]  }
0x186: {  	v5 =	vld [tilespmem:s5+$0x20]  }
0x187: {  	v6 =	vld [tilespmem:s5+$0xFFFFFFC0]  }
0x188: {  	v8 =	vld [tilespmem:s5+$0xFFFFFFD0]  }
0x189: {  	v9 =	vld [tilespmem:s5+$0xFFFFFFE0]  }
0x18a: {  	s31 =	simm.s32 $0x1A740;
	v10 =	vld [tilespmem:s5+$0xFFFFFFF0]  }
0x18b: {  	v26 =	vld [tilespmem:s31+$0x0]  }
0x18c: {  	v27 =	vld [tilespmem:s31+$0x10]  }
0x18d: {  	v28 =	vld [tilespmem:s31+$0xFFFFFFC0]  }
0x18e: {  	v29 =	vld [tilespmem:s31+$0xFFFFFFD0]  }
0x18f: {  	v30 =	vld [tilespmem:s31+$0xFFFFFFE0]  }
0x190: {  	v31 =	vld [tilespmem:s31+$0xFFFFFFF0]  }
0x191: {  	v32 =	vld [tilespmem:s31+$0x20]  }
0x192: {  	v3 =	vsub.f32 v3, v18;
	v33 =	vld [tilespmem:s31+$0x30]  }
0x193: {  	v4 =	vsub.f32 v4, v19;
	v17 =	vsub.f32 v23, v17;
	v23 =	vld [tilespmem:s5+$0x30]  }
0x194: {  	v0 =	vsub.f32 v0, v16;
	v7 =	vsub.f32 v7, v21;
	v26 =	vld.idx.msk [tilespmem:v26+s3+$0x0], $0xffff  }
0x195: {  	v12 =	vsub.f32 v12, v22;
	v3 =	vmul.f32 v3, v3;
	v4 =	vmul.f32 v4, v4;
	v16 =	vld.idx.msk [tilespmem:v27+s3+$0x0], $0xffff  }
0x196: {  	v2 =	vsub.f32 v2, v20;
	v7 =	vmul.f32 v7, v7;
	v0 =	vmul.f32 v0, v0;
	v18 =	vld.idx.msk [tilespmem:v28+s3+$0x0], $0xffff  }
0x197: {  	v12 =	vmul.f32 v12, v12;
	v3 =	vadd.f32 v3, v14;
	v14 =	vmul.f32 v24, v24;
	v19 =	vld.idx.msk [tilespmem:v29+s3+$0x0], $0xffff  }
0x198: {  	v4 =	vadd.f32 v4, v15;
	v7 =	vadd.f32 v7, v13;
	v2 =	vmul.f32 v2, v2;
	v21 =	vld.idx.msk [tilespmem:v30+s3+$0x0], $0xffff  }
0x199: {  	v11 =	vadd.f32 v12, v11;
	v12 =	vadd.f32 v14, v3;
	v14 =	vmul.f32 v17, v17;
	v22 =	vld.idx.msk [tilespmem:v31+s3+$0x0], $0xffff  }
0x19a: {  	v13 =	vadd.f32 v0, v4;
	v3 =	vadd.f32 v2, v7;
	v20 =	vld.idx.msk [tilespmem:v32+s3+$0x0], $0xffff  }
0x19b: {  	s4 =	simm.s32 $0x0;
	v2 =	vadd.f32 v14, v11;
	s5 =	simm.s32 $0x187C0;
	v17 =	vld.idx.msk [tilespmem:v33+s3+$0x0], $0xffff;
	v24 =	vsub.f32 v25, v26  }
.LBB2_14:
0x19c: {  	v0 =	vld [tilespmem:s5+$0x0];
	v4 =	vsub.f32 v6, v18;
	v6 =	vsub.f32 v1, v16  }
0x19d: {  	v7 =	vsub.f32 v8, v19;
	v9 =	vsub.f32 v9, v21;
	v1 =	vld [tilespmem:s5+$0x10]  }
0x19e: {  	v10 =	vsub.f32 v10, v22;
	v14 =	vmul.f32 v24, v24;
	v11 =	vld [tilespmem:s5+$0x20];
	v15 =	vmul.f32 v6, v6  }
0x19f: {  	v4 =	vmul.f32 v4, v4;
	v7 =	vmul.f32 v7, v7;
	v5 =	vsub.f32 v5, v20;
	v6 =	vld [tilespmem:s5+$0xFFFFFFC0]  }
0x1a0: {  	v16 =	vmul.f32 v9, v9;
	v18 =	vmul.f32 v10, v10;
	v8 =	vld [tilespmem:s5+$0xFFFFFFD0];
	v17 =	vsub.f32 v23, v17  }
0x1a1: {  	v4 =	vadd.f32 v4, v12;
	v7 =	vadd.f32 v7, v13;
	v19 =	vmul.f32 v5, v5;
	v9 =	vld [tilespmem:s5+$0xFFFFFFE0]  }
0x1a2: {  	s31 =	sadd.s32 $0x80, s31;
	v3 =	vadd.f32 v16, v3;
	v2 =	vadd.f32 v18, v2;
	v10 =	vld [tilespmem:s5+$0xFFFFFFF0];
	v16 =	vmul.f32 v17, v17  }
0x1a3: {  	v12 =	vadd.f32 v14, v4;
	v13 =	vadd.f32 v15, v7;
	v17 =	vld [tilespmem:s31+$0x0];
	v5 =	vmov v11  }
0x1a4: {  	v3 =	vadd.f32 v19, v3;
	v4 =	vld [tilespmem:s31+$0x10];
	v2 =	vadd.f32 v16, v2  }
0x1a5: {  	v7 =	vld [tilespmem:s31+$0xFFFFFFC0]  }
0x1a6: {  	v11 =	vld [tilespmem:s31+$0xFFFFFFD0]  }
0x1a7: {  	v14 =	vld [tilespmem:s31+$0xFFFFFFE0]  }
0x1a8: {  	s4 =	sadd.s32 $0x8, s4;
	v15 =	vld [tilespmem:s31+$0xFFFFFFF0]  }
0x1a9: {  	p0 =	slt.u32 s4, $0xF8;
	v20 =	vld [tilespmem:s31+$0x20]  }
0x1aa: {  	v23 =	vld [tilespmem:s31+$0x30]  }
0x1ab: {  	v24 =	vld.idx.msk [tilespmem:v17+s3+$0x0], $0xffff  }
0x1ac: {  	v16 =	vld.idx.msk [tilespmem:v4+s3+$0x0], $0xffff  }
0x1ad: {  	v18 =	vld.idx.msk [tilespmem:v7+s3+$0x0], $0xffff  }
0x1ae: {  	v19 =	vld.idx.msk [tilespmem:v11+s3+$0x0], $0xffff  }
.Ltmp6:
0x1af: {  	v21 =	vld.idx.msk [tilespmem:v14+s3+$0x0], $0xffff;
	(pc) =	sbr.rel @p0 .LBB2_14-.Ltmp6, $4  }
0x1b0: {  	v22 =	vld.idx.msk [tilespmem:v15+s3+$0x0], $0xffff  }
0x1b1: {  	v20 =	vld.idx.msk [tilespmem:v20+s3+$0x0], $0xffff  }
0x1b2: {  	v17 =	vld.idx.msk [tilespmem:v23+s3+$0x0], $0xffff  }
0x1b3: {  	v24 =	vsub.f32 v0, v24;
	v23 =	vld [tilespmem:s5+$0x30];
	s5 =	sadd.s32 $0x80, s5  }
0x1b4: {  	_ =	swait.ge [sflag:s29], $0x1000  }
0x1b5: {  	[sflag:s29] =	ssyncset.done $0x0  }
0x1b6: {  	[sflag:s29] =	ssyncadd.s32 $0xFFFFF000  }
0x1b7: {  	_ =	swait.ge [sflag:s30], $0x1000  }
0x1b8: {  	[sflag:s30] =	ssyncset.done $0x0  }
0x1b9: {  	s5 =	simm.s32 $0x19740;
	[sflag:s30] =	ssyncadd.s32 $0xFFFFF000  }
0x1ba: {  	v25 =	vld [tilespmem:s5+$0x0]  }
0x1bb: {  	v0 =	vld [tilespmem:s5+$0x10]  }
0x1bc: {  	v4 =	vld [tilespmem:s5+$0x20]  }
0x1bd: {  	v7 =	vld [tilespmem:s5+$0xFFFFFFC0]  }
0x1be: {  	v11 =	vld [tilespmem:s5+$0xFFFFFFD0]  }
0x1bf: {  	v14 =	vld [tilespmem:s5+$0xFFFFFFE0]  }
0x1c0: {  	s31 =	simm.s32 $0x1B740;
	v15 =	vld [tilespmem:s5+$0xFFFFFFF0]  }
0x1c1: {  	v26 =	vld [tilespmem:s31+$0x0]  }
0x1c2: {  	v27 =	vld [tilespmem:s31+$0x10]  }
0x1c3: {  	v1 =	vsub.f32 v1, v16;
	v16 =	vsub.f32 v9, v21;
	v28 =	vld [tilespmem:s31+$0xFFFFFFC0]  }
0x1c4: {  	v29 =	vld [tilespmem:s31+$0xFFFFFFD0]  }
0x1c5: {  	v22 =	vsub.f32 v10, v22;
	v5 =	vsub.f32 v5, v20;
	v16 =	vmul.f32 v16, v16;
	v30 =	vld [tilespmem:s31+$0xFFFFFFE0]  }
0x1c6: {  	v31 =	vld [tilespmem:s31+$0xFFFFFFF0]  }
0x1c7: {  	v22 =	vmul.f32 v22, v22;
	v16 =	vadd.f32 v16, v3;
	v5 =	vmul.f32 v5, v5;
	v32 =	vld [tilespmem:s31+$0x20]  }
0x1c8: {  	v6 =	vsub.f32 v6, v18;
	v18 =	vld [tilespmem:s31+$0x30]  }
0x1c9: {  	v22 =	vadd.f32 v22, v2;
	v2 =	vadd.f32 v5, v16;
	v16 =	vld [tilespmem:s5+$0x30]  }
0x1ca: {  	v8 =	vsub.f32 v8, v19;
	v19 =	vld.idx.msk [tilespmem:v26+s3+$0x0], $0xffff  }
0x1cb: {  	v62 =	vmul.f32 v6, v6;
	v6 =	vld.idx.msk [tilespmem:v27+s3+$0x0], $0xffff  }
0x1cc: {  	v8 =	vmul.f32 v8, v8;
	v9 =	vld.idx.msk [tilespmem:v28+s3+$0x0], $0xffff  }
0x1cd: {  	v63 =	vmul.f32 v24, v24;
	v20 =	vsub.f32 v23, v17;
	v10 =	vld.idx.msk [tilespmem:v29+s3+$0x0], $0xffff  }
0x1ce: {  	v12 =	vadd.f32 v62, v12;
	v8 =	vadd.f32 v8, v13;
	v3 =	vmul.f32 v1, v1;
	v13 =	vld.idx.msk [tilespmem:v30+s3+$0x0], $0xffff  }
0x1cf: {  	v20 =	vmul.f32 v20, v20;
	v17 =	vld.idx.msk [tilespmem:v31+s3+$0x0], $0xffff  }
0x1d0: {  	v1 =	vadd.f32 v63, v12;
	v3 =	vadd.f32 v3, v8;
	v12 =	vld.idx.msk [tilespmem:v32+s3+$0x0], $0xffff  }
0x1d1: {  	s4 =	simm.s32 $0x0;
	s5 =	simm.s32 $0x197C0;
	v5 =	vadd.f32 v20, v22;
	v8 =	vld.idx.msk [tilespmem:v18+s3+$0x0], $0xffff;
	v18 =	vsub.f32 v25, v19  }
.LBB2_16:
0x1d2: {  	v19 =	vld [tilespmem:s5+$0x0];
	v9 =	vsub.f32 v7, v9;
	v6 =	vsub.f32 v0, v6  }
0x1d3: {  	v10 =	vsub.f32 v11, v10;
	v13 =	vsub.f32 v14, v13;
	v0 =	vld [tilespmem:s5+$0x10]  }
0x1d4: {  	v14 =	vsub.f32 v15, v17;
	v17 =	vmul.f32 v18, v18;
	v20 =	vld [tilespmem:s5+$0x20];
	v6 =	vmul.f32 v6, v6  }
0x1d5: {  	v9 =	vmul.f32 v9, v9;
	v10 =	vmul.f32 v10, v10;
	v4 =	vsub.f32 v4, v12;
	v7 =	vld [tilespmem:s5+$0xFFFFFFC0]  }
0x1d6: {  	v12 =	vmul.f32 v13, v13;
	v13 =	vmul.f32 v14, v14;
	v11 =	vld [tilespmem:s5+$0xFFFFFFD0];
	v8 =	vsub.f32 v16, v8  }
0x1d7: {  	v1 =	vadd.f32 v9, v1;
	v3 =	vadd.f32 v10, v3;
	v9 =	vmul.f32 v4, v4;
	v14 =	vld [tilespmem:s5+$0xFFFFFFE0]  }
0x1d8: {  	s31 =	sadd.s32 $0x80, s31;
	v2 =	vadd.f32 v12, v2;
	v5 =	vadd.f32 v13, v5;
	v15 =	vld [tilespmem:s5+$0xFFFFFFF0];
	v8 =	vmul.f32 v8, v8  }
0x1d9: {  	v1 =	vadd.f32 v17, v1;
	v3 =	vadd.f32 v6, v3;
	v10 =	vld [tilespmem:s31+$0x0];
	v4 =	vmov v20  }
0x1da: {  	v2 =	vadd.f32 v9, v2;
	v6 =	vld [tilespmem:s31+$0x10];
	v5 =	vadd.f32 v8, v5  }
0x1db: {  	v8 =	vld [tilespmem:s31+$0xFFFFFFC0]  }
0x1dc: {  	v12 =	vld [tilespmem:s31+$0xFFFFFFD0]  }
0x1dd: {  	v13 =	vld [tilespmem:s31+$0xFFFFFFE0]  }
0x1de: {  	s4 =	sadd.s32 $0x8, s4;
	v16 =	vld [tilespmem:s31+$0xFFFFFFF0]  }
0x1df: {  	p0 =	slt.u32 s4, $0xF8;
	v18 =	vld [tilespmem:s31+$0x20]  }
0x1e0: {  	v20 =	vld [tilespmem:s31+$0x30]  }
0x1e1: {  	v21 =	vld.idx.msk [tilespmem:v10+s3+$0x0], $0xffff  }
0x1e2: {  	v6 =	vld.idx.msk [tilespmem:v6+s3+$0x0], $0xffff  }
0x1e3: {  	v9 =	vld.idx.msk [tilespmem:v8+s3+$0x0], $0xffff  }
0x1e4: {  	v10 =	vld.idx.msk [tilespmem:v12+s3+$0x0], $0xffff  }
.Ltmp7:
0x1e5: {  	v13 =	vld.idx.msk [tilespmem:v13+s3+$0x0], $0xffff;
	(pc) =	sbr.rel @p0 .LBB2_16-.Ltmp7, $4  }
0x1e6: {  	v17 =	vld.idx.msk [tilespmem:v16+s3+$0x0], $0xffff  }
0x1e7: {  	v12 =	vld.idx.msk [tilespmem:v18+s3+$0x0], $0xffff  }
0x1e8: {  	v8 =	vld.idx.msk [tilespmem:v20+s3+$0x0], $0xffff  }
0x1e9: {  	v18 =	vsub.f32 v19, v21;
	v16 =	vld [tilespmem:s5+$0x30];
	s5 =	sadd.s32 $0x80, s5  }
0x1ea: {  	v7 =	vsub.f32 v7, v9;
	v0 =	vsub.f32 v0, v6  }
0x1eb: {  	v57 =	vsub.f32 v11, v10;
	v58 =	vsub.f32 v14, v13  }
0x1ec: {  	v59 =	vsub.f32 v15, v17;
	v60 =	vmul.f32 v18, v18;
	v0 =	vmul.f32 v0, v0  }
0x1ed: {  	v7 =	vmul.f32 v7, v7;
	v6 =	vmul.f32 v57, v57;
	v4 =	vsub.f32 v4, v12  }
0x1ee: {  	v9 =	vmul.f32 v58, v58;
	v10 =	vmul.f32 v59, v59;
	v8 =	vsub.f32 v16, v8  }
0x1ef: {  	v1 =	vadd.f32 v7, v1;
	v3 =	vadd.f32 v6, v3;
	v4 =	vmul.f32 v4, v4  }
0x1f0: {  	v2 =	vadd.f32 v9, v2;
	v5 =	vadd.f32 v10, v5;
	v61 =	vmul.f32 v8, v8  }
0x1f1: {  	v1 =	vadd.f32 v60, v1;
	v0 =	vadd.f32 v0, v3  }
0x1f2: {  	v2 =	vadd.f32 v4, v2;
	v62 =	vadd.f32 v61, v5;
	_ =	sdelay $0x1  }
0x1f3: {  	v0 =	vadd.f32 v0, v1;
	v63 =	vadd.f32 v62, v2;
	_ =	sdelay $0x1  }
0x1f4: {  	s2 =	sadd.s32 $0x1, s2;
	v0 =	vadd.f32 v63, v0  }
0x1f5: {  	p0 =	sne.s32 s2, s18  }
.Ltmp8:
0x1f6: {  	s4 =	simm.s32 $0x1C700;
	[tilespmem:$0x1C700] =	vst v0;
	(pc) =	sbr.rel @p0 .LBB2_1-.Ltmp8, $4  }
0x1f7: {  	[hbm4b:s17+s3] =	stream.linear.scatter [tilespmem:s4], [sflag:$0x6], $0x80, $0x38;
	[tilespmem:$0x1C780] =	vst v63  }
0x1f8: {  	_ =	swait.ge [sflag:s0], $0x80  }
0x1f9: {  	[sflag:s0] =	ssyncset.done $0x0  }
0x1fa: {  	[sflag:s0] =	ssyncadd.s32 $0xFFFFFF80  }
0x1fb: {  	_ =	sfence.sel $0x180000  }
0x1fc: {  	[bflag:$0x0] =	sbarrier.arrive $0xFFFF  }
0x1fd: {  	_ =	strace $0x90000047  }
0x1fe: {  	s0 =	stileid.u32;
	[bflag:$0x2] =	sbarrier.arrive $0xFFFF  }
0x1ff: {  	p0 =	sne.s32 s0, $0x0;
	s0 =	rddreg [dreg:$0x4]  }
0x200: {  	s0 =	sadd.s32 @!p0 $0x100000, s0  }
0x201: {  	[sflag:s0] =	ssyncadd.tile.s32 @!p0 $0x1;
	_ =	shalt  }
.Lfunc_end2:
_tile_overlayer_lowered:
.L_overlay_start_2:
0x202: {  	(tag) =	ssettag $0x2  }
0x203: {  	s0 =	rddreg [dreg:$0x0];
	s2 =	stileid.u32  }
0x204: {  	s1 =	rddreg [dreg:$0x1];
	p0 =	sne.s32 s2, $0x0  }
0x205: {  	s3 =	rddreg [dreg:$0x2];
	[bflag:$0x3] =	sbarrier.arrive $0xFFFF;
	s2 =	simm.s32 @!p0 $0x1C06  }
0x206: {  	[timem:s3], [sflag:s2] =	dma.local @!p0 [hbm:s0], s1  }
0x207: {  	s0 =	simm.s32 @!p0 $0x6  }
0x208: {  	_ =	swait.ge @!p0 [sflag:s0], s1  }
0x209: {  	s1 =	ssub.s32 @!p0 $0x0, s1;
	[sflag:s0] =	ssyncset.done @!p0 $0x0  }
0x20a: {  	[sflag:s0] =	ssyncadd.s32 @!p0 s1  }
0x20b: {  	[bflag:$0x3] =	sbarrier.arrive $0xFFFF  }
0x20c: {  	_ =	shalt  }

</sc_bundles>
